<compile_context>
chip_gen: v7x
topology: tpu7x:2x2x1
jax: 0.10.2.dev20260603
libtpu: 0.0.44.dev20260713+nightly
codegen_flags: <defaults>
</compile_context>

<pallas_src>
import functools

import jax
import jax.numpy as jnp
from jax import lax
from jax.experimental import pallas as pl
from jax.experimental.pallas import tpu as pltpu
from jax.experimental.pallas import tpu_sc as plsc

VOCAB = 1000
BATCH = 1024
SEQ = 50
SEQA = 48
DIM = VOCAB
DIMP = 1024
ROWSP = VOCAB + 104
MAIN = 896
TAIL = DIM - MAIN

_INFO = plsc.get_sparse_core_info()
NC = _INFO.num_cores
NS = _INFO.num_subcores
NW = NC * NS
BPW = BATCH // NW


def _make_sc_gather():
  mesh = plsc.VectorSubcoreMesh(core_axis_name="c", subcore_axis_name="s")

  @functools.partial(
      pl.kernel,
      mesh=mesh,
      out_type=jax.ShapeDtypeStruct((BATCH, SEQ, DIM), jnp.float32),
      scratch_types=[
          pltpu.VMEM((BPW, SEQA), jnp.int32),
          pltpu.VMEM((BPW, 2), jnp.int32),
          pltpu.VMEM((SEQA, DIMP), jnp.float32),
          pltpu.VMEM((SEQA, DIMP), jnp.float32),
          pltpu.VMEM((2, DIMP), jnp.float32),
          pltpu.VMEM((2, DIMP), jnp.float32),
          pltpu.VMEM((SEQ, TAIL), jnp.float32),
          pltpu.SemaphoreType.DMA,
          pltpu.SemaphoreType.DMA,
          pltpu.SemaphoreType.DMA,
          pltpu.SemaphoreType.DMA,
      ],
      compiler_params=pltpu.CompilerParams(use_tc_tiling_on_sc=True),
  )
  def body(table_hbm, idxa_hbm, idxb_hbm, out_hbm, idxa_v, idxb_v,
           buf0, buf1, sb0, sb1, tail_v, sem0, sem1, semb0, semb1):
    wid = lax.axis_index("s") * NC + lax.axis_index("c")
    base = wid * BPW

    pltpu.sync_copy(idxa_hbm.at[wid], idxa_v)
    pltpu.sync_copy(idxb_hbm.at[wid], idxb_v)

    def gather(c, buf, sem):
      return pltpu.make_async_copy(table_hbm.at[idxa_v.at[c]], buf, sem)

    def gather_b(c, sb, semb):
      return pltpu.make_async_copy(table_hbm.at[idxb_v.at[c]], sb, semb)

    def writeback(c, buf, sb):
      def tail_row(dst, r, src, q):
        for i in range(TAIL // 16):
          dst[r, pl.ds(i * 16, 16)] = src[q, pl.ds(MAIN + i * 16, 16)]
        dst[r, pl.ds(TAIL - 16, 16)] = src[q, pl.ds(MAIN + TAIL - 16, 16)]

      def row(r, carry):
        tail_row(tail_v, r, buf, r)
        return carry

      lax.fori_loop(0, SEQA, row, 0)
      for k in range(SEQ - SEQA):
        tail_row(tail_v, SEQA + k, sb, k)

      pltpu.sync_copy(buf.at[:, pl.ds(0, MAIN)],
                      out_hbm.at[base + c, pl.ds(0, SEQA), pl.ds(0, MAIN)])
      pltpu.sync_copy(sb.at[:, pl.ds(0, MAIN)],
                      out_hbm.at[base + c, pl.ds(SEQA, SEQ - SEQA),
                                 pl.ds(0, MAIN)])
      pltpu.sync_copy(tail_v, out_hbm.at[base + c, :, pl.ds(MAIN, TAIL)])

    gather(0, buf0, sem0).start()
    gather_b(0, sb0, semb0).start()
    gather(1, buf1, sem1).start()
    gather_b(1, sb1, semb1).start()

    def step(i, carry):
      c0 = 2 * i
      c1 = c0 + 1

      gather(c0, buf0, sem0).wait()
      gather_b(c0, sb0, semb0).wait()
      writeback(c0, buf0, sb0)

      @pl.when(c0 + 2 < BPW)
      def _():
        gather(c0 + 2, buf0, sem0).start()
        gather_b(c0 + 2, sb0, semb0).start()

      gather(c1, buf1, sem1).wait()
      gather_b(c1, sb1, semb1).wait()
      writeback(c1, buf1, sb1)

      @pl.when(c1 + 2 < BPW)
      def _():
        gather(c1 + 2, buf1, sem1).start()
        gather_b(c1 + 2, sb1, semb1).start()

      return carry

    lax.fori_loop(0, BPW // 2, step, 0)

  return body


_sc_gather = _make_sc_gather()


def _tc_transpose_body(in_ref, out_ref):
  out_ref[...] = jnp.transpose(in_ref[...], (1, 2, 0))


_tc_transpose = pl.pallas_call(
    _tc_transpose_body,
    out_shape=jax.ShapeDtypeStruct((SEQ, DIM, BATCH), jnp.float32),
    grid=(8, 8),
    in_specs=[pl.BlockSpec((128, SEQ, 128), lambda i, j: (i, 0, j))],
    out_specs=pl.BlockSpec((SEQ, 128, 128), lambda i, j: (0, j, i)),
)


def kernel(idx, token_embedding_table):
  idx_w = idx.astype(jnp.int32).reshape(NW, BPW, SEQ)
  idx_a = idx_w[:, :, :SEQA]
  idx_b = idx_w[:, :, SEQA:]
  table_p = jnp.pad(token_embedding_table,
                    ((0, ROWSP - VOCAB), (0, DIMP - DIM)))
  g = _sc_gather(table_p, idx_a, idx_b)
  t = _tc_transpose(g)
  return jnp.transpose(t, (2, 0, 1))

# --- scband reference (transcript-rebuilt; emitter-appended) ---
"""Pipeline reference for scband-bigram-language-model-78348793414201 (READ-ONLY COPY).

The authoritative reference and input builder live on the scoring server;
editing this copy changes nothing except your own understanding.
"""

import jax, jax.numpy as jnp
import numpy as np

VOCAB = 1000
BATCH = 1024
SEQ = 50

def setup_inputs(seed: int = 0) -> dict:
    key = jax.random.key(seed)
    k_idx, k_tab = jax.random.split(key)
    idx = jax.random.randint(k_idx, (BATCH, SEQ), 0, VOCAB, dtype=jnp.int64 if jax.config.jax_enable_x64 else jnp.int32)
    # nn.Embedding default init: N(0, 1)
    token_embedding_table = jax.random.normal(k_tab, (VOCAB, VOCAB), dtype=jnp.float32)
    return {"idx": idx, "token_embedding_table": token_embedding_table}

def reference(idx, token_embedding_table):
    # logits = self.token_embedding_table(idx)
    logits = jnp.take(token_embedding_table, idx, axis=0)
    return logits

if __name__ == "__main__":
    import jax
    _d = setup_inputs()
    print(jax.jit(kernel)(*tuple(_d.values())))

</pallas_src>

<mosaic_0001>
#map = affine_map<(d0, d1) -> (0, 0)>
#map1 = affine_map<(d0, d1) -> (0, 0, 0)>
module attributes {stable_mosaic.version = 14 : i64} {
  func.func @body(%arg0: i32, %arg1: i32, %arg2: memref<1104x1024xf32, #tpu.memory_space<hbm>>, %arg3: memref<32x32x48xi32, #tpu.memory_space<hbm>>, %arg4: memref<32x32x2xi32, #tpu.memory_space<hbm>>, %arg5: memref<1024x50x1000xf32, #tpu.memory_space<hbm>>, %arg6: memref<32x48xi32, #tpu.memory_space<vmem>>, %arg7: memref<32x2xi32, #tpu.memory_space<vmem>>, %arg8: memref<48x1024xf32, #tpu.memory_space<vmem>>, %arg9: memref<48x1024xf32, #tpu.memory_space<vmem>>, %arg10: memref<2x1024xf32, #tpu.memory_space<vmem>>, %arg11: memref<2x1024xf32, #tpu.memory_space<vmem>>, %arg12: memref<50x104xf32, #tpu.memory_space<vmem>>, %arg13: memref<!tpu.dma_semaphore, #tpu.memory_space<semaphore_mem>>, %arg14: memref<!tpu.dma_semaphore, #tpu.memory_space<semaphore_mem>>, %arg15: memref<!tpu.dma_semaphore, #tpu.memory_space<semaphore_mem>>, %arg16: memref<!tpu.dma_semaphore, #tpu.memory_space<semaphore_mem>>) attributes {dimension_semantics = [#tpu.dimension_semantics<core_parallel>, #tpu.dimension_semantics<subcore_parallel>], iteration_bounds = array<i64: 2, 16>, scalar_prefetch = 0 : i64, scratch_operands = 11 : i64, tpu.core_type = #tpu.core_type<sc_vector_subcore>, window_params = [{transform_indices = #map}, {transform_indices = #map1}, {transform_indices = #map1}, {transform_indices = #map1}]} {
    %mul3A = arith.constant 2 : i32
    %mul3A_0 = arith.muli %arg1, %mul3A : i32
    %add3A = arith.addi %mul3A_0, %arg0 : i32
    %mul3A_1 = arith.constant 32 : i32
    %mul3A_2 = arith.muli %add3A, %mul3A_1 : i32
    "tpu.region"() ({
      %run_scoped3A = tpu.sem_alloc : memref<!tpu.dma_semaphore, #tpu.memory_space<semaphore_mem>>
      %dma_start3A_35 = arith.constant 0 : i32
      %dma_start3A_36 = arith.constant 0 : i32
      %dma_start3A_37 = tpu.memref_slice %arg3[%add3A, %dma_start3A_35, %dma_start3A_36] : memref<32x32x48xi32, #tpu.memory_space<hbm>> -> memref<1x32x48xi32, #tpu.memory_space<hbm>>
      %dma_start3A_38 = tpu.memref_squeeze %dma_start3A_37 : memref<1x32x48xi32, #tpu.memory_space<hbm>> -> memref<32x48xi32, #tpu.memory_space<hbm>>
      %dma_start3A_39 = arith.constant 0 : i32
      %dma_start3A_40 = arith.constant 0 : i32
      %dma_start3A_41 = tpu.memref_slice %arg3[%add3A, %dma_start3A_39, %dma_start3A_40] : memref<32x32x48xi32, #tpu.memory_space<hbm>> -> memref<1x32x48xi32, #tpu.memory_space<hbm>>
      %dma_start3A_42 = tpu.memref_squeeze %dma_start3A_41 : memref<1x32x48xi32, #tpu.memory_space<hbm>> -> memref<32x48xi32, #tpu.memory_space<hbm>>
      tpu.enqueue_dma source(%dma_start3A_42 : memref<32x48xi32, #tpu.memory_space<hbm>>) target(%arg6 : memref<32x48xi32, #tpu.memory_space<vmem>>) target_semaphore(%run_scoped3A : memref<!tpu.dma_semaphore, #tpu.memory_space<semaphore_mem>>)
      %dma_wait3A = arith.constant 0 : i32
      %dma_wait3A_43 = arith.constant 0 : i32
      %dma_wait3A_44 = tpu.memref_slice %arg3[%add3A, %dma_wait3A, %dma_wait3A_43] : memref<32x32x48xi32, #tpu.memory_space<hbm>> -> memref<1x32x48xi32, #tpu.memory_space<hbm>>
      %dma_wait3A_45 = tpu.memref_squeeze %dma_wait3A_44 : memref<1x32x48xi32, #tpu.memory_space<hbm>> -> memref<32x48xi32, #tpu.memory_space<hbm>>
      %dma_wait3A_46 = arith.constant 0 : i32
      %dma_wait3A_47 = arith.constant 0 : i32
      %dma_wait3A_48 = tpu.memref_slice %arg3[%add3A, %dma_wait3A_46, %dma_wait3A_47] : memref<32x32x48xi32, #tpu.memory_space<hbm>> -> memref<1x32x48xi32, #tpu.memory_space<hbm>>
      %dma_wait3A_49 = tpu.memref_squeeze %dma_wait3A_48 : memref<1x32x48xi32, #tpu.memory_space<hbm>> -> memref<32x48xi32, #tpu.memory_space<hbm>>
      tpu.wait_dma2 semaphore(%run_scoped3A : memref<!tpu.dma_semaphore, #tpu.memory_space<semaphore_mem>>) src(%dma_wait3A_49 : memref<32x48xi32, #tpu.memory_space<hbm>>) dst(%arg6 : memref<32x48xi32, #tpu.memory_space<vmem>>)
      tpu.yield
    }) : () -> ()
    "tpu.region"() ({
      %run_scoped3A = tpu.sem_alloc : memref<!tpu.dma_semaphore, #tpu.memory_space<semaphore_mem>>
      %dma_start3A_35 = arith.constant 0 : i32
      %dma_start3A_36 = arith.constant 0 : i32
      %dma_start3A_37 = tpu.memref_slice %arg4[%add3A, %dma_start3A_35, %dma_start3A_36] : memref<32x32x2xi32, #tpu.memory_space<hbm>> -> memref<1x32x2xi32, #tpu.memory_space<hbm>>
      %dma_start3A_38 = tpu.memref_squeeze %dma_start3A_37 : memref<1x32x2xi32, #tpu.memory_space<hbm>> -> memref<32x2xi32, #tpu.memory_space<hbm>>
      %dma_start3A_39 = arith.constant 0 : i32
      %dma_start3A_40 = arith.constant 0 : i32
      %dma_start3A_41 = tpu.memref_slice %arg4[%add3A, %dma_start3A_39, %dma_start3A_40] : memref<32x32x2xi32, #tpu.memory_space<hbm>> -> memref<1x32x2xi32, #tpu.memory_space<hbm>>
      %dma_start3A_42 = tpu.memref_squeeze %dma_start3A_41 : memref<1x32x2xi32, #tpu.memory_space<hbm>> -> memref<32x2xi32, #tpu.memory_space<hbm>>
      tpu.enqueue_dma source(%dma_start3A_42 : memref<32x2xi32, #tpu.memory_space<hbm>>) target(%arg7 : memref<32x2xi32, #tpu.memory_space<vmem>>) target_semaphore(%run_scoped3A : memref<!tpu.dma_semaphore, #tpu.memory_space<semaphore_mem>>)
      %dma_wait3A = arith.constant 0 : i32
      %dma_wait3A_43 = arith.constant 0 : i32
      %dma_wait3A_44 = tpu.memref_slice %arg4[%add3A, %dma_wait3A, %dma_wait3A_43] : memref<32x32x2xi32, #tpu.memory_space<hbm>> -> memref<1x32x2xi32, #tpu.memory_space<hbm>>
      %dma_wait3A_45 = tpu.memref_squeeze %dma_wait3A_44 : memref<1x32x2xi32, #tpu.memory_space<hbm>> -> memref<32x2xi32, #tpu.memory_space<hbm>>
      %dma_wait3A_46 = arith.constant 0 : i32
      %dma_wait3A_47 = arith.constant 0 : i32
      %dma_wait3A_48 = tpu.memref_slice %arg4[%add3A, %dma_wait3A_46, %dma_wait3A_47] : memref<32x32x2xi32, #tpu.memory_space<hbm>> -> memref<1x32x2xi32, #tpu.memory_space<hbm>>
      %dma_wait3A_49 = tpu.memref_squeeze %dma_wait3A_48 : memref<1x32x2xi32, #tpu.memory_space<hbm>> -> memref<32x2xi32, #tpu.memory_space<hbm>>
      tpu.wait_dma2 semaphore(%run_scoped3A : memref<!tpu.dma_semaphore, #tpu.memory_space<semaphore_mem>>) src(%dma_wait3A_49 : memref<32x2xi32, #tpu.memory_space<hbm>>) dst(%arg7 : memref<32x2xi32, #tpu.memory_space<vmem>>)
      tpu.yield
    }) : () -> ()
    %dma_start3A = arith.constant 0 : i32
    %dma_start3A_3 = arith.constant 0 : i32
    %dma_start3A_4 = tpu.memref_slice %arg6[%dma_start3A, %dma_start3A_3] : memref<32x48xi32, #tpu.memory_space<vmem>> -> memref<1x48xi32, #tpu.memory_space<vmem>>
    %dma_start3A_5 = tpu.memref_squeeze %dma_start3A_4 : memref<1x48xi32, #tpu.memory_space<vmem>> -> memref<48xi32, #tpu.memory_space<vmem>>
    %dma_start3A_6 = arith.constant 0 : i32
    %dma_start3A_7 = arith.constant 0 : i32
    %dma_start3A_8 = tpu.memref_slice %arg2[%dma_start3A_6, %dma_start3A_7] : memref<1104x1024xf32, #tpu.memory_space<hbm>> -> memref<1104x1024xf32, #tpu.memory_space<hbm>>
    tpu.enqueue_indirect_dma source(%dma_start3A_8 : memref<1104x1024xf32, #tpu.memory_space<hbm>>) target(%arg8 : memref<48x1024xf32, #tpu.memory_space<vmem>>) offsets(%dma_start3A_5 : memref<48xi32, #tpu.memory_space<vmem>>) semaphore(%arg13 : memref<!tpu.dma_semaphore, #tpu.memory_space<semaphore_mem>>)
    %dma_start3A_9 = arith.constant 0 : i32
    %dma_start3A_10 = arith.constant 0 : i32
    %dma_start3A_11 = tpu.memref_slice %arg7[%dma_start3A_9, %dma_start3A_10] : memref<32x2xi32, #tpu.memory_space<vmem>> -> memref<1x2xi32, #tpu.memory_space<vmem>>
    %dma_start3A_12 = tpu.memref_squeeze %dma_start3A_11 : memref<1x2xi32, #tpu.memory_space<vmem>> -> memref<2xi32, #tpu.memory_space<vmem>>
    %dma_start3A_13 = arith.constant 0 : i32
    %dma_start3A_14 = arith.constant 0 : i32
    %dma_start3A_15 = tpu.memref_slice %arg2[%dma_start3A_13, %dma_start3A_14] : memref<1104x1024xf32, #tpu.memory_space<hbm>> -> memref<1104x1024xf32, #tpu.memory_space<hbm>>
    tpu.enqueue_indirect_dma source(%dma_start3A_15 : memref<1104x1024xf32, #tpu.memory_space<hbm>>) target(%arg10 : memref<2x1024xf32, #tpu.memory_space<vmem>>) offsets(%dma_start3A_12 : memref<2xi32, #tpu.memory_space<vmem>>) semaphore(%arg15 : memref<!tpu.dma_semaphore, #tpu.memory_space<semaphore_mem>>)
    %dma_start3A_16 = arith.constant 1 : i32
    %dma_start3A_17 = arith.constant 0 : i32
    %dma_start3A_18 = tpu.memref_slice %arg6[%dma_start3A_16, %dma_start3A_17] : memref<32x48xi32, #tpu.memory_space<vmem>> -> memref<1x48xi32, #tpu.memory_space<vmem>>
    %dma_start3A_19 = tpu.memref_squeeze %dma_start3A_18 : memref<1x48xi32, #tpu.memory_space<vmem>> -> memref<48xi32, #tpu.memory_space<vmem>>
    %dma_start3A_20 = arith.constant 0 : i32
    %dma_start3A_21 = arith.constant 0 : i32
    %dma_start3A_22 = tpu.memref_slice %arg2[%dma_start3A_20, %dma_start3A_21] : memref<1104x1024xf32, #tpu.memory_space<hbm>> -> memref<1104x1024xf32, #tpu.memory_space<hbm>>
    tpu.enqueue_indirect_dma source(%dma_start3A_22 : memref<1104x1024xf32, #tpu.memory_space<hbm>>) target(%arg9 : memref<48x1024xf32, #tpu.memory_space<vmem>>) offsets(%dma_start3A_19 : memref<48xi32, #tpu.memory_space<vmem>>) semaphore(%arg14 : memref<!tpu.dma_semaphore, #tpu.memory_space<semaphore_mem>>)
    %dma_start3A_23 = arith.constant 1 : i32
    %dma_start3A_24 = arith.constant 0 : i32
    %dma_start3A_25 = tpu.memref_slice %arg7[%dma_start3A_23, %dma_start3A_24] : memref<32x2xi32, #tpu.memory_space<vmem>> -> memref<1x2xi32, #tpu.memory_space<vmem>>
    %dma_start3A_26 = tpu.memref_squeeze %dma_start3A_25 : memref<1x2xi32, #tpu.memory_space<vmem>> -> memref<2xi32, #tpu.memory_space<vmem>>
    %dma_start3A_27 = arith.constant 0 : i32
    %dma_start3A_28 = arith.constant 0 : i32
    %dma_start3A_29 = tpu.memref_slice %arg2[%dma_start3A_27, %dma_start3A_28] : memref<1104x1024xf32, #tpu.memory_space<hbm>> -> memref<1104x1024xf32, #tpu.memory_space<hbm>>
    tpu.enqueue_indirect_dma source(%dma_start3A_29 : memref<1104x1024xf32, #tpu.memory_space<hbm>>) target(%arg11 : memref<2x1024xf32, #tpu.memory_space<vmem>>) offsets(%dma_start3A_26 : memref<2xi32, #tpu.memory_space<vmem>>) semaphore(%arg16 : memref<!tpu.dma_semaphore, #tpu.memory_space<semaphore_mem>>)
    %scan3A = arith.constant 0 : i32
    %scan3A_30 = arith.constant 0 : i32
    %scan3A_31 = arith.constant 16 : i32
    %scan3A_32 = arith.addi %scan3A_30, %scan3A_31 : i32
    %scan3A_33 = arith.constant 1 : i32
    scf.for %scan3A_35 = %scan3A_30 to %scan3A_32 step %scan3A_33  : i32 {
      %mul3A_36 = arith.constant 2 : i32
      %mul3A_37 = arith.muli %mul3A_36, %scan3A_35 : i32
      %add3A_38 = arith.constant 1 : i32
      %add3A_39 = arith.addi %mul3A_37, %add3A_38 : i32
      %dma_wait3A = arith.constant 0 : i32
      %dma_wait3A_40 = tpu.memref_slice %arg6[%mul3A_37, %dma_wait3A] : memref<32x48xi32, #tpu.memory_space<vmem>> -> memref<1x48xi32, #tpu.memory_space<vmem>>
      %dma_wait3A_41 = tpu.memref_squeeze %dma_wait3A_40 : memref<1x48xi32, #tpu.memory_space<vmem>> -> memref<48xi32, #tpu.memory_space<vmem>>
      %dma_wait3A_42 = arith.constant 0 : i32
      %dma_wait3A_43 = arith.constant 0 : i32
      %dma_wait3A_44 = tpu.memref_slice %arg2[%dma_wait3A_42, %dma_wait3A_43] : memref<1104x1024xf32, #tpu.memory_space<hbm>> -> memref<1104x1024xf32, #tpu.memory_space<hbm>>
      tpu.wait_indirect_dma semaphore(%arg13 : memref<!tpu.dma_semaphore, #tpu.memory_space<semaphore_mem>>) src(%dma_wait3A_44 : memref<1104x1024xf32, #tpu.memory_space<hbm>>) dst(%arg8 : memref<48x1024xf32, #tpu.memory_space<vmem>>)
      %dma_wait3A_45 = arith.constant 0 : i32
      %dma_wait3A_46 = tpu.memref_slice %arg7[%mul3A_37, %dma_wait3A_45] : memref<32x2xi32, #tpu.memory_space<vmem>> -> memref<1x2xi32, #tpu.memory_space<vmem>>
      %dma_wait3A_47 = tpu.memref_squeeze %dma_wait3A_46 : memref<1x2xi32, #tpu.memory_space<vmem>> -> memref<2xi32, #tpu.memory_space<vmem>>
      %dma_wait3A_48 = arith.constant 0 : i32
      %dma_wait3A_49 = arith.constant 0 : i32
      %dma_wait3A_50 = tpu.memref_slice %arg2[%dma_wait3A_48, %dma_wait3A_49] : memref<1104x1024xf32, #tpu.memory_space<hbm>> -> memref<1104x1024xf32, #tpu.memory_space<hbm>>
      tpu.wait_indirect_dma semaphore(%arg15 : memref<!tpu.dma_semaphore, #tpu.memory_space<semaphore_mem>>) src(%dma_wait3A_50 : memref<1104x1024xf32, #tpu.memory_space<hbm>>) dst(%arg10 : memref<2x1024xf32, #tpu.memory_space<vmem>>)
      %scan3A_51 = arith.constant 0 : i32
      %scan3A_52 = arith.constant 0 : i32
      %scan3A_53 = arith.constant 48 : i32
      %scan3A_54 = arith.addi %scan3A_52, %scan3A_53 : i32
      %scan3A_55 = arith.constant 1 : i32
      scf.for %scan3A_398 = %scan3A_52 to %scan3A_54 step %scan3A_55  : i32 {
        %get3A_399 = arith.index_cast %scan3A_398 : i32 to index
        %get3A_400 = arith.constant 896 : index
        %get3A_401 = tpu.vector_load %arg8[%get3A_399, %get3A_400] {strides = array<i32>} : memref<48x1024xf32, #tpu.memory_space<vmem>>, vector<1x16xf32>,
        %get3A_402 = vector.shape_cast %get3A_401 : vector<1x16xf32> to vector<16xf32>
        %swap3A_403 = arith.index_cast %scan3A_398 : i32 to index
        %swap3A_404 = arith.constant 0 : index
        %swap3A_405 = tpu.vector_load %arg12[%swap3A_403, %swap3A_404] {strides = array<i32>} : memref<50x104xf32, #tpu.memory_space<vmem>>, vector<1x16xf32>,
        %swap3A_406 = vector.shape_cast %swap3A_405 : vector<1x16xf32> to vector<16xf32>
        %swap3A_407 = vector.shape_cast %get3A_402 : vector<16xf32> to vector<1x16xf32>
        tpu.vector_store %arg12[%swap3A_403, %swap3A_404], %swap3A_407 {strides = array<i32>} : memref<50x104xf32, #tpu.memory_space<vmem>>, vector<1x16xf32>,
        %get3A_408 = arith.index_cast %scan3A_398 : i32 to index
        %get3A_409 = arith.constant 912 : index
        %get3A_410 = tpu.vector_load %arg8[%get3A_408, %get3A_409] {strides = array<i32>} : memref<48x1024xf32, #tpu.memory_space<vmem>>, vector<1x16xf32>,
        %get3A_411 = vector.shape_cast %get3A_410 : vector<1x16xf32> to vector<16xf32>
        %swap3A_412 = arith.index_cast %scan3A_398 : i32 to index
        %swap3A_413 = arith.constant 16 : index
        %swap3A_414 = tpu.vector_load %arg12[%swap3A_412, %swap3A_413] {strides = array<i32>} : memref<50x104xf32, #tpu.memory_space<vmem>>, vector<1x16xf32>,
        %swap3A_415 = vector.shape_cast %swap3A_414 : vector<1x16xf32> to vector<16xf32>
        %swap3A_416 = vector.shape_cast %get3A_411 : vector<16xf32> to vector<1x16xf32>
        tpu.vector_store %arg12[%swap3A_412, %swap3A_413], %swap3A_416 {strides = array<i32>} : memref<50x104xf32, #tpu.memory_space<vmem>>, vector<1x16xf32>,
        %get3A_417 = arith.index_cast %scan3A_398 : i32 to index
        %get3A_418 = arith.constant 928 : index
        %get3A_419 = tpu.vector_load %arg8[%get3A_417, %get3A_418] {strides = array<i32>} : memref<48x1024xf32, #tpu.memory_space<vmem>>, vector<1x16xf32>,
        %get3A_420 = vector.shape_cast %get3A_419 : vector<1x16xf32> to vector<16xf32>
        %swap3A_421 = arith.index_cast %scan3A_398 : i32 to index
        %swap3A_422 = arith.constant 32 : index
        %swap3A_423 = tpu.vector_load %arg12[%swap3A_421, %swap3A_422] {strides = array<i32>} : memref<50x104xf32, #tpu.memory_space<vmem>>, vector<1x16xf32>,
        %swap3A_424 = vector.shape_cast %swap3A_423 : vector<1x16xf32> to vector<16xf32>
        %swap3A_425 = vector.shape_cast %get3A_420 : vector<16xf32> to vector<1x16xf32>
        tpu.vector_store %arg12[%swap3A_421, %swap3A_422], %swap3A_425 {strides = array<i32>} : memref<50x104xf32, #tpu.memory_space<vmem>>, vector<1x16xf32>,
        %get3A_426 = arith.index_cast %scan3A_398 : i32 to index
        %get3A_427 = arith.constant 944 : index
        %get3A_428 = tpu.vector_load %arg8[%get3A_426, %get3A_427] {strides = array<i32>} : memref<48x1024xf32, #tpu.memory_space<vmem>>, vector<1x16xf32>,
        %get3A_429 = vector.shape_cast %get3A_428 : vector<1x16xf32> to vector<16xf32>
        %swap3A_430 = arith.index_cast %scan3A_398 : i32 to index
        %swap3A_431 = arith.constant 48 : index
        %swap3A_432 = tpu.vector_load %arg12[%swap3A_430, %swap3A_431] {strides = array<i32>} : memref<50x104xf32, #tpu.memory_space<vmem>>, vector<1x16xf32>,
        %swap3A_433 = vector.shape_cast %swap3A_432 : vector<1x16xf32> to vector<16xf32>
        %swap3A_434 = vector.shape_cast %get3A_429 : vector<16xf32> to vector<1x16xf32>
        tpu.vector_store %arg12[%swap3A_430, %swap3A_431], %swap3A_434 {strides = array<i32>} : memref<50x104xf32, #tpu.memory_space<vmem>>, vector<1x16xf32>,
        %get3A_435 = arith.index_cast %scan3A_398 : i32 to index
        %get3A_436 = arith.constant 960 : index
        %get3A_437 = tpu.vector_load %arg8[%get3A_435, %get3A_436] {strides = array<i32>} : memref<48x1024xf32, #tpu.memory_space<vmem>>, vector<1x16xf32>,
        %get3A_438 = vector.shape_cast %get3A_437 : vector<1x16xf32> to vector<16xf32>
        %swap3A_439 = arith.index_cast %scan3A_398 : i32 to index
        %swap3A_440 = arith.constant 64 : index
        %swap3A_441 = tpu.vector_load %arg12[%swap3A_439, %swap3A_440] {strides = array<i32>} : memref<50x104xf32, #tpu.memory_space<vmem>>, vector<1x16xf32>,
        %swap3A_442 = vector.shape_cast %swap3A_441 : vector<1x16xf32> to vector<16xf32>
        %swap3A_443 = vector.shape_cast %get3A_438 : vector<16xf32> to vector<1x16xf32>
        tpu.vector_store %arg12[%swap3A_439, %swap3A_440], %swap3A_443 {strides = array<i32>} : memref<50x104xf32, #tpu.memory_space<vmem>>, vector<1x16xf32>,
        %get3A_444 = arith.index_cast %scan3A_398 : i32 to index
        %get3A_445 = arith.constant 976 : index
        %get3A_446 = tpu.vector_load %arg8[%get3A_444, %get3A_445] {strides = array<i32>} : memref<48x1024xf32, #tpu.memory_space<vmem>>, vector<1x16xf32>,
        %get3A_447 = vector.shape_cast %get3A_446 : vector<1x16xf32> to vector<16xf32>
        %swap3A_448 = arith.index_cast %scan3A_398 : i32 to index
        %swap3A_449 = arith.constant 80 : index
        %swap3A_450 = tpu.vector_load %arg12[%swap3A_448, %swap3A_449] {strides = array<i32>} : memref<50x104xf32, #tpu.memory_space<vmem>>, vector<1x16xf32>,
        %swap3A_451 = vector.shape_cast %swap3A_450 : vector<1x16xf32> to vector<16xf32>
        %swap3A_452 = vector.shape_cast %get3A_447 : vector<16xf32> to vector<1x16xf32>
        tpu.vector_store %arg12[%swap3A_448, %swap3A_449], %swap3A_452 {strides = array<i32>} : memref<50x104xf32, #tpu.memory_space<vmem>>, vector<1x16xf32>,
        %get3A_453 = arith.index_cast %scan3A_398 : i32 to index
        %get3A_454 = arith.constant 984 : index
        %get3A_455 = tpu.vector_load %arg8[%get3A_453, %get3A_454] {strides = array<i32>} : memref<48x1024xf32, #tpu.memory_space<vmem>>, vector<1x16xf32>,
        %get3A_456 = vector.shape_cast %get3A_455 : vector<1x16xf32> to vector<16xf32>
        %swap3A_457 = arith.index_cast %scan3A_398 : i32 to index
        %swap3A_458 = arith.constant 88 : index
        %swap3A_459 = tpu.vector_load %arg12[%swap3A_457, %swap3A_458] {strides = array<i32>} : memref<50x104xf32, #tpu.memory_space<vmem>>, vector<1x16xf32>,
        %swap3A_460 = vector.shape_cast %swap3A_459 : vector<1x16xf32> to vector<16xf32>
        %swap3A_461 = vector.shape_cast %get3A_456 : vector<16xf32> to vector<1x16xf32>
        tpu.vector_store %arg12[%swap3A_457, %swap3A_458], %swap3A_461 {strides = array<i32>} : memref<50x104xf32, #tpu.memory_space<vmem>>, vector<1x16xf32>,
      }
      %scan3A_56 = arith.constant 48 : i32
      %get3A = arith.constant 0 : i32
      %get3A_57 = arith.index_cast %get3A : i32 to index
      %get3A_58 = arith.constant 896 : index
      %get3A_59 = tpu.vector_load %arg10[%get3A_57, %get3A_58] {strides = array<i32>} : memref<2x1024xf32, #tpu.memory_space<vmem>>, vector<1x16xf32>,
      %get3A_60 = vector.shape_cast %get3A_59 : vector<1x16xf32> to vector<16xf32>
      %swap3A = arith.constant 48 : i32
      %swap3A_61 = arith.index_cast %swap3A : i32 to index
      %swap3A_62 = arith.constant 0 : index
      %swap3A_63 = tpu.vector_load %arg12[%swap3A_61, %swap3A_62] {strides = array<i32>} : memref<50x104xf32, #tpu.memory_space<vmem>>, vector<1x16xf32>,
      %swap3A_64 = vector.shape_cast %swap3A_63 : vector<1x16xf32> to vector<16xf32>
      %swap3A_65 = vector.shape_cast %get3A_60 : vector<16xf32> to vector<1x16xf32>
      tpu.vector_store %arg12[%swap3A_61, %swap3A_62], %swap3A_65 {strides = array<i32>} : memref<50x104xf32, #tpu.memory_space<vmem>>, vector<1x16xf32>,
      %get3A_66 = arith.constant 0 : i32
      %get3A_67 = arith.index_cast %get3A_66 : i32 to index
      %get3A_68 = arith.constant 912 : index
      %get3A_69 = tpu.vector_load %arg10[%get3A_67, %get3A_68] {strides = array<i32>} : memref<2x1024xf32, #tpu.memory_space<vmem>>, vector<1x16xf32>,
      %get3A_70 = vector.shape_cast %get3A_69 : vector<1x16xf32> to vector<16xf32>
      %swap3A_71 = arith.constant 48 : i32
      %swap3A_72 = arith.index_cast %swap3A_71 : i32 to index
      %swap3A_73 = arith.constant 16 : index
      %swap3A_74 = tpu.vector_load %arg12[%swap3A_72, %swap3A_73] {strides = array<i32>} : memref<50x104xf32, #tpu.memory_space<vmem>>, vector<1x16xf32>,
      %swap3A_75 = vector.shape_cast %swap3A_74 : vector<1x16xf32> to vector<16xf32>
      %swap3A_76 = vector.shape_cast %get3A_70 : vector<16xf32> to vector<1x16xf32>
      tpu.vector_store %arg12[%swap3A_72, %swap3A_73], %swap3A_76 {strides = array<i32>} : memref<50x104xf32, #tpu.memory_space<vmem>>, vector<1x16xf32>,
      %get3A_77 = arith.constant 0 : i32
      %get3A_78 = arith.index_cast %get3A_77 : i32 to index
      %get3A_79 = arith.constant 928 : index
      %get3A_80 = tpu.vector_load %arg10[%get3A_78, %get3A_79] {strides = array<i32>} : memref<2x1024xf32, #tpu.memory_space<vmem>>, vector<1x16xf32>,
      %get3A_81 = vector.shape_cast %get3A_80 : vector<1x16xf32> to vector<16xf32>
      %swap3A_82 = arith.constant 48 : i32
      %swap3A_83 = arith.index_cast %swap3A_82 : i32 to index
      %swap3A_84 = arith.constant 32 : index
      %swap3A_85 = tpu.vector_load %arg12[%swap3A_83, %swap3A_84] {strides = array<i32>} : memref<50x104xf32, #tpu.memory_space<vmem>>, vector<1x16xf32>,
      %swap3A_86 = vector.shape_cast %swap3A_85 : vector<1x16xf32> to vector<16xf32>
      %swap3A_87 = vector.shape_cast %get3A_81 : vector<16xf32> to vector<1x16xf32>
      tpu.vector_store %arg12[%swap3A_83, %swap3A_84], %swap3A_87 {strides = array<i32>} : memref<50x104xf32, #tpu.memory_space<vmem>>, vector<1x16xf32>,
      %get3A_88 = arith.constant 0 : i32
      %get3A_89 = arith.index_cast %get3A_88 : i32 to index
      %get3A_90 = arith.constant 944 : index
      %get3A_91 = tpu.vector_load %arg10[%get3A_89, %get3A_90] {strides = array<i32>} : memref<2x1024xf32, #tpu.memory_space<vmem>>, vector<1x16xf32>,
      %get3A_92 = vector.shape_cast %get3A_91 : vector<1x16xf32> to vector<16xf32>
      %swap3A_93 = arith.constant 48 : i32
      %swap3A_94 = arith.index_cast %swap3A_93 : i32 to index
      %swap3A_95 = arith.constant 48 : index
      %swap3A_96 = tpu.vector_load %arg12[%swap3A_94, %swap3A_95] {strides = array<i32>} : memref<50x104xf32, #tpu.memory_space<vmem>>, vector<1x16xf32>,
      %swap3A_97 = vector.shape_cast %swap3A_96 : vector<1x16xf32> to vector<16xf32>
      %swap3A_98 = vector.shape_cast %get3A_92 : vector<16xf32> to vector<1x16xf32>
      tpu.vector_store %arg12[%swap3A_94, %swap3A_95], %swap3A_98 {strides = array<i32>} : memref<50x104xf32, #tpu.memory_space<vmem>>, vector<1x16xf32>,
      %get3A_99 = arith.constant 0 : i32
      %get3A_100 = arith.index_cast %get3A_99 : i32 to index
      %get3A_101 = arith.constant 960 : index
      %get3A_102 = tpu.vector_load %arg10[%get3A_100, %get3A_101] {strides = array<i32>} : memref<2x1024xf32, #tpu.memory_space<vmem>>, vector<1x16xf32>,
      %get3A_103 = vector.shape_cast %get3A_102 : vector<1x16xf32> to vector<16xf32>
      %swap3A_104 = arith.constant 48 : i32
      %swap3A_105 = arith.index_cast %swap3A_104 : i32 to index
      %swap3A_106 = arith.constant 64 : index
      %swap3A_107 = tpu.vector_load %arg12[%swap3A_105, %swap3A_106] {strides = array<i32>} : memref<50x104xf32, #tpu.memory_space<vmem>>, vector<1x16xf32>,
      %swap3A_108 = vector.shape_cast %swap3A_107 : vector<1x16xf32> to vector<16xf32>
      %swap3A_109 = vector.shape_cast %get3A_103 : vector<16xf32> to vector<1x16xf32>
      tpu.vector_store %arg12[%swap3A_105, %swap3A_106], %swap3A_109 {strides = array<i32>} : memref<50x104xf32, #tpu.memory_space<vmem>>, vector<1x16xf32>,
      %get3A_110 = arith.constant 0 : i32
      %get3A_111 = arith.index_cast %get3A_110 : i32 to index
      %get3A_112 = arith.constant 976 : index
      %get3A_113 = tpu.vector_load %arg10[%get3A_111, %get3A_112] {strides = array<i32>} : memref<2x1024xf32, #tpu.memory_space<vmem>>, vector<1x16xf32>,
      %get3A_114 = vector.shape_cast %get3A_113 : vector<1x16xf32> to vector<16xf32>
      %swap3A_115 = arith.constant 48 : i32
      %swap3A_116 = arith.index_cast %swap3A_115 : i32 to index
      %swap3A_117 = arith.constant 80 : index
      %swap3A_118 = tpu.vector_load %arg12[%swap3A_116, %swap3A_117] {strides = array<i32>} : memref<50x104xf32, #tpu.memory_space<vmem>>, vector<1x16xf32>,
      %swap3A_119 = vector.shape_cast %swap3A_118 : vector<1x16xf32> to vector<16xf32>
      %swap3A_120 = vector.shape_cast %get3A_114 : vector<16xf32> to vector<1x16xf32>
      tpu.vector_store %arg12[%swap3A_116, %swap3A_117], %swap3A_120 {strides = array<i32>} : memref<50x104xf32, #tpu.memory_space<vmem>>, vector<1x16xf32>,
      %get3A_121 = arith.constant 0 : i32
      %get3A_122 = arith.index_cast %get3A_121 : i32 to index
      %get3A_123 = arith.constant 984 : index
      %get3A_124 = tpu.vector_load %arg10[%get3A_122, %get3A_123] {strides = array<i32>} : memref<2x1024xf32, #tpu.memory_space<vmem>>, vector<1x16xf32>,
      %get3A_125 = vector.shape_cast %get3A_124 : vector<1x16xf32> to vector<16xf32>
      %swap3A_126 = arith.constant 48 : i32
      %swap3A_127 = arith.index_cast %swap3A_126 : i32 to index
      %swap3A_128 = arith.constant 88 : index
      %swap3A_129 = tpu.vector_load %arg12[%swap3A_127, %swap3A_128] {strides = array<i32>} : memref<50x104xf32, #tpu.memory_space<vmem>>, vector<1x16xf32>,
      %swap3A_130 = vector.shape_cast %swap3A_129 : vector<1x16xf32> to vector<16xf32>
      %swap3A_131 = vector.shape_cast %get3A_125 : vector<16xf32> to vector<1x16xf32>
      tpu.vector_store %arg12[%swap3A_127, %swap3A_128], %swap3A_131 {strides = array<i32>} : memref<50x104xf32, #tpu.memory_space<vmem>>, vector<1x16xf32>,
      %get3A_132 = arith.constant 1 : i32
      %get3A_133 = arith.index_cast %get3A_132 : i32 to index
      %get3A_134 = arith.constant 896 : index
      %get3A_135 = tpu.vector_load %arg10[%get3A_133, %get3A_134] {strides = array<i32>} : memref<2x1024xf32, #tpu.memory_space<vmem>>, vector<1x16xf32>,
      %get3A_136 = vector.shape_cast %get3A_135 : vector<1x16xf32> to vector<16xf32>
      %swap3A_137 = arith.constant 49 : i32
      %swap3A_138 = arith.index_cast %swap3A_137 : i32 to index
      %swap3A_139 = arith.constant 0 : index
      %swap3A_140 = tpu.vector_load %arg12[%swap3A_138, %swap3A_139] {strides = array<i32>} : memref<50x104xf32, #tpu.memory_space<vmem>>, vector<1x16xf32>,
      %swap3A_141 = vector.shape_cast %swap3A_140 : vector<1x16xf32> to vector<16xf32>
      %swap3A_142 = vector.shape_cast %get3A_136 : vector<16xf32> to vector<1x16xf32>
      tpu.vector_store %arg12[%swap3A_138, %swap3A_139], %swap3A_142 {strides = array<i32>} : memref<50x104xf32, #tpu.memory_space<vmem>>, vector<1x16xf32>,
      %get3A_143 = arith.constant 1 : i32
      %get3A_144 = arith.index_cast %get3A_143 : i32 to index
      %get3A_145 = arith.constant 912 : index
      %get3A_146 = tpu.vector_load %arg10[%get3A_144, %get3A_145] {strides = array<i32>} : memref<2x1024xf32, #tpu.memory_space<vmem>>, vector<1x16xf32>,
      %get3A_147 = vector.shape_cast %get3A_146 : vector<1x16xf32> to vector<16xf32>
      %swap3A_148 = arith.constant 49 : i32
      %swap3A_149 = arith.index_cast %swap3A_148 : i32 to index
      %swap3A_150 = arith.constant 16 : index
      %swap3A_151 = tpu.vector_load %arg12[%swap3A_149, %swap3A_150] {strides = array<i32>} : memref<50x104xf32, #tpu.memory_space<vmem>>, vector<1x16xf32>,
      %swap3A_152 = vector.shape_cast %swap3A_151 : vector<1x16xf32> to vector<16xf32>
      %swap3A_153 = vector.shape_cast %get3A_147 : vector<16xf32> to vector<1x16xf32>
      tpu.vector_store %arg12[%swap3A_149, %swap3A_150], %swap3A_153 {strides = array<i32>} : memref<50x104xf32, #tpu.memory_space<vmem>>, vector<1x16xf32>,
      %get3A_154 = arith.constant 1 : i32
      %get3A_155 = arith.index_cast %get3A_154 : i32 to index
      %get3A_156 = arith.constant 928 : index
      %get3A_157 = tpu.vector_load %arg10[%get3A_155, %get3A_156] {strides = array<i32>} : memref<2x1024xf32, #tpu.memory_space<vmem>>, vector<1x16xf32>,
      %get3A_158 = vector.shape_cast %get3A_157 : vector<1x16xf32> to vector<16xf32>
      %swap3A_159 = arith.constant 49 : i32
      %swap3A_160 = arith.index_cast %swap3A_159 : i32 to index
      %swap3A_161 = arith.constant 32 : index
      %swap3A_162 = tpu.vector_load %arg12[%swap3A_160, %swap3A_161] {strides = array<i32>} : memref<50x104xf32, #tpu.memory_space<vmem>>, vector<1x16xf32>,
      %swap3A_163 = vector.shape_cast %swap3A_162 : vector<1x16xf32> to vector<16xf32>
      %swap3A_164 = vector.shape_cast %get3A_158 : vector<16xf32> to vector<1x16xf32>
      tpu.vector_store %arg12[%swap3A_160, %swap3A_161], %swap3A_164 {strides = array<i32>} : memref<50x104xf32, #tpu.memory_space<vmem>>, vector<1x16xf32>,
      %get3A_165 = arith.constant 1 : i32
      %get3A_166 = arith.index_cast %get3A_165 : i32 to index
      %get3A_167 = arith.constant 944 : index
      %get3A_168 = tpu.vector_load %arg10[%get3A_166, %get3A_167] {strides = array<i32>} : memref<2x1024xf32, #tpu.memory_space<vmem>>, vector<1x16xf32>,
      %get3A_169 = vector.shape_cast %get3A_168 : vector<1x16xf32> to vector<16xf32>
      %swap3A_170 = arith.constant 49 : i32
      %swap3A_171 = arith.index_cast %swap3A_170 : i32 to index
      %swap3A_172 = arith.constant 48 : index
      %swap3A_173 = tpu.vector_load %arg12[%swap3A_171, %swap3A_172] {strides = array<i32>} : memref<50x104xf32, #tpu.memory_space<vmem>>, vector<1x16xf32>,
      %swap3A_174 = vector.shape_cast %swap3A_173 : vector<1x16xf32> to vector<16xf32>
      %swap3A_175 = vector.shape_cast %get3A_169 : vector<16xf32> to vector<1x16xf32>
      tpu.vector_store %arg12[%swap3A_171, %swap3A_172], %swap3A_175 {strides = array<i32>} : memref<50x104xf32, #tpu.memory_space<vmem>>, vector<1x16xf32>,
      %get3A_176 = arith.constant 1 : i32
      %get3A_177 = arith.index_cast %get3A_176 : i32 to index
      %get3A_178 = arith.constant 960 : index
      %get3A_179 = tpu.vector_load %arg10[%get3A_177, %get3A_178] {strides = array<i32>} : memref<2x1024xf32, #tpu.memory_space<vmem>>, vector<1x16xf32>,
      %get3A_180 = vector.shape_cast %get3A_179 : vector<1x16xf32> to vector<16xf32>
      %swap3A_181 = arith.constant 49 : i32
      %swap3A_182 = arith.index_cast %swap3A_181 : i32 to index
      %swap3A_183 = arith.constant 64 : index
      %swap3A_184 = tpu.vector_load %arg12[%swap3A_182, %swap3A_183] {strides = array<i32>} : memref<50x104xf32, #tpu.memory_space<vmem>>, vector<1x16xf32>,
      %swap3A_185 = vector.shape_cast %swap3A_184 : vector<1x16xf32> to vector<16xf32>
      %swap3A_186 = vector.shape_cast %get3A_180 : vector<16xf32> to vector<1x16xf32>
      tpu.vector_store %arg12[%swap3A_182, %swap3A_183], %swap3A_186 {strides = array<i32>} : memref<50x104xf32, #tpu.memory_space<vmem>>, vector<1x16xf32>,
      %get3A_187 = arith.constant 1 : i32
      %get3A_188 = arith.index_cast %get3A_187 : i32 to index
      %get3A_189 = arith.constant 976 : index
      %get3A_190 = tpu.vector_load %arg10[%get3A_188, %get3A_189] {strides = array<i32>} : memref<2x1024xf32, #tpu.memory_space<vmem>>, vector<1x16xf32>,
      %get3A_191 = vector.shape_cast %get3A_190 : vector<1x16xf32> to vector<16xf32>
      %swap3A_192 = arith.constant 49 : i32
      %swap3A_193 = arith.index_cast %swap3A_192 : i32 to index
      %swap3A_194 = arith.constant 80 : index
      %swap3A_195 = tpu.vector_load %arg12[%swap3A_193, %swap3A_194] {strides = array<i32>} : memref<50x104xf32, #tpu.memory_space<vmem>>, vector<1x16xf32>,
      %swap3A_196 = vector.shape_cast %swap3A_195 : vector<1x16xf32> to vector<16xf32>
      %swap3A_197 = vector.shape_cast %get3A_191 : vector<16xf32> to vector<1x16xf32>
      tpu.vector_store %arg12[%swap3A_193, %swap3A_194], %swap3A_197 {strides = array<i32>} : memref<50x104xf32, #tpu.memory_space<vmem>>, vector<1x16xf32>,
      %get3A_198 = arith.constant 1 : i32
      %get3A_199 = arith.index_cast %get3A_198 : i32 to index
      %get3A_200 = arith.constant 984 : index
      %get3A_201 = tpu.vector_load %arg10[%get3A_199, %get3A_200] {strides = array<i32>} : memref<2x1024xf32, #tpu.memory_space<vmem>>, vector<1x16xf32>,
      %get3A_202 = vector.shape_cast %get3A_201 : vector<1x16xf32> to vector<16xf32>
      %swap3A_203 = arith.constant 49 : i32
      %swap3A_204 = arith.index_cast %swap3A_203 : i32 to index
      %swap3A_205 = arith.constant 88 : index
      %swap3A_206 = tpu.vector_load %arg12[%swap3A_204, %swap3A_205] {strides = array<i32>} : memref<50x104xf32, #tpu.memory_space<vmem>>, vector<1x16xf32>,
      %swap3A_207 = vector.shape_cast %swap3A_206 : vector<1x16xf32> to vector<16xf32>
      %swap3A_208 = vector.shape_cast %get3A_202 : vector<16xf32> to vector<1x16xf32>
      tpu.vector_store %arg12[%swap3A_204, %swap3A_205], %swap3A_208 {strides = array<i32>} : memref<50x104xf32, #tpu.memory_space<vmem>>, vector<1x16xf32>,
      %add3A_209 = arith.addi %mul3A_2, %mul3A_37 : i32
      "tpu.region"() ({
        %run_scoped3A = tpu.sem_alloc : memref<!tpu.dma_semaphore, #tpu.memory_space<semaphore_mem>>
        %dma_start3A_398 = arith.constant 0 : i32
        %dma_start3A_399 = arith.constant 0 : i32
        %dma_start3A_400 = tpu.memref_slice %arg8[%dma_start3A_398, %dma_start3A_399] : memref<48x1024xf32, #tpu.memory_space<vmem>> -> memref<48x896xf32, #tpu.memory_space<vmem>>
        %dma_start3A_401 = arith.constant 0 : i32
        %dma_start3A_402 = arith.constant 0 : i32
        %dma_start3A_403 = tpu.memref_slice %arg5[%add3A_209, %dma_start3A_401, %dma_start3A_402] : memref<1024x50x1000xf32, #tpu.memory_space<hbm>> -> memref<1x48x896xf32, #tpu.memory_space<hbm>>
        %dma_start3A_404 = tpu.memref_squeeze %dma_start3A_403 : memref<1x48x896xf32, #tpu.memory_space<hbm>> -> memref<48x896xf32, #tpu.memory_space<hbm>>
        %dma_start3A_405 = arith.constant 0 : i32
        %dma_start3A_406 = arith.constant 0 : i32
        %dma_start3A_407 = tpu.memref_slice %arg5[%add3A_209, %dma_start3A_405, %dma_start3A_406] : memref<1024x50x1000xf32, #tpu.memory_space<hbm>> -> memref<1x48x896xf32, #tpu.memory_space<hbm>>
        %dma_start3A_408 = tpu.memref_squeeze %dma_start3A_407 : memref<1x48x896xf32, #tpu.memory_space<hbm>> -> memref<48x896xf32, #tpu.memory_space<hbm>>
        %dma_start3A_409 = arith.constant 0 : i32
        %dma_start3A_410 = arith.constant 0 : i32
        %dma_start3A_411 = tpu.memref_slice %arg8[%dma_start3A_409, %dma_start3A_410] : memref<48x1024xf32, #tpu.memory_space<vmem>> -> memref<48x896xf32, #tpu.memory_space<vmem>>
        tpu.enqueue_dma source(%dma_start3A_411 : memref<48x896xf32, #tpu.memory_space<vmem>>) target(%dma_start3A_408 : memref<48x896xf32, #tpu.memory_space<hbm>>) target_semaphore(%run_scoped3A : memref<!tpu.dma_semaphore, #tpu.memory_space<semaphore_mem>>)
        %dma_wait3A_412 = arith.constant 0 : i32
        %dma_wait3A_413 = arith.constant 0 : i32
        %dma_wait3A_414 = tpu.memref_slice %arg8[%dma_wait3A_412, %dma_wait3A_413] : memref<48x1024xf32, #tpu.memory_space<vmem>> -> memref<48x896xf32, #tpu.memory_space<vmem>>
        %dma_wait3A_415 = arith.constant 0 : i32
        %dma_wait3A_416 = arith.constant 0 : i32
        %dma_wait3A_417 = tpu.memref_slice %arg5[%add3A_209, %dma_wait3A_415, %dma_wait3A_416] : memref<1024x50x1000xf32, #tpu.memory_space<hbm>> -> memref<1x48x896xf32, #tpu.memory_space<hbm>>
        %dma_wait3A_418 = tpu.memref_squeeze %dma_wait3A_417 : memref<1x48x896xf32, #tpu.memory_space<hbm>> -> memref<48x896xf32, #tpu.memory_space<hbm>>
        %dma_wait3A_419 = arith.constant 0 : i32
        %dma_wait3A_420 = arith.constant 0 : i32
        %dma_wait3A_421 = tpu.memref_slice %arg5[%add3A_209, %dma_wait3A_419, %dma_wait3A_420] : memref<1024x50x1000xf32, #tpu.memory_space<hbm>> -> memref<1x48x896xf32, #tpu.memory_space<hbm>>
        %dma_wait3A_422 = tpu.memref_squeeze %dma_wait3A_421 : memref<1x48x896xf32, #tpu.memory_space<hbm>> -> memref<48x896xf32, #tpu.memory_space<hbm>>
        %dma_wait3A_423 = arith.constant 0 : i32
        %dma_wait3A_424 = arith.constant 0 : i32
        %dma_wait3A_425 = tpu.memref_slice %arg8[%dma_wait3A_423, %dma_wait3A_424] : memref<48x1024xf32, #tpu.memory_space<vmem>> -> memref<48x896xf32, #tpu.memory_space<vmem>>
        tpu.wait_dma2 semaphore(%run_scoped3A : memref<!tpu.dma_semaphore, #tpu.memory_space<semaphore_mem>>) src(%dma_wait3A_425 : memref<48x896xf32, #tpu.memory_space<vmem>>) dst(%dma_wait3A_422 : memref<48x896xf32, #tpu.memory_space<hbm>>)
        tpu.yield
      }) : () -> ()
      %add3A_210 = arith.addi %mul3A_2, %mul3A_37 : i32
      "tpu.region"() ({
        %run_scoped3A = tpu.sem_alloc : memref<!tpu.dma_semaphore, #tpu.memory_space<semaphore_mem>>
        %dma_start3A_398 = arith.constant 0 : i32
        %dma_start3A_399 = arith.constant 0 : i32
        %dma_start3A_400 = tpu.memref_slice %arg10[%dma_start3A_398, %dma_start3A_399] : memref<2x1024xf32, #tpu.memory_space<vmem>> -> memref<2x896xf32, #tpu.memory_space<vmem>>
        %dma_start3A_401 = arith.constant 48 : i32
        %dma_start3A_402 = arith.constant 0 : i32
        %dma_start3A_403 = tpu.memref_slice %arg5[%add3A_210, %dma_start3A_401, %dma_start3A_402] : memref<1024x50x1000xf32, #tpu.memory_space<hbm>> -> memref<1x2x896xf32, #tpu.memory_space<hbm>>
        %dma_start3A_404 = tpu.memref_squeeze %dma_start3A_403 : memref<1x2x896xf32, #tpu.memory_space<hbm>> -> memref<2x896xf32, #tpu.memory_space<hbm>>
        %dma_start3A_405 = arith.constant 48 : i32
        %dma_start3A_406 = arith.constant 0 : i32
        %dma_start3A_407 = tpu.memref_slice %arg5[%add3A_210, %dma_start3A_405, %dma_start3A_406] : memref<1024x50x1000xf32, #tpu.memory_space<hbm>> -> memref<1x2x896xf32, #tpu.memory_space<hbm>>
        %dma_start3A_408 = tpu.memref_squeeze %dma_start3A_407 : memref<1x2x896xf32, #tpu.memory_space<hbm>> -> memref<2x896xf32, #tpu.memory_space<hbm>>
        %dma_start3A_409 = arith.constant 0 : i32
        %dma_start3A_410 = arith.constant 0 : i32
        %dma_start3A_411 = tpu.memref_slice %arg10[%dma_start3A_409, %dma_start3A_410] : memref<2x1024xf32, #tpu.memory_space<vmem>> -> memref<2x896xf32, #tpu.memory_space<vmem>>
        tpu.enqueue_dma source(%dma_start3A_411 : memref<2x896xf32, #tpu.memory_space<vmem>>) target(%dma_start3A_408 : memref<2x896xf32, #tpu.memory_space<hbm>>) target_semaphore(%run_scoped3A : memref<!tpu.dma_semaphore, #tpu.memory_space<semaphore_mem>>)
        %dma_wait3A_412 = arith.constant 0 : i32
        %dma_wait3A_413 = arith.constant 0 : i32
        %dma_wait3A_414 = tpu.memref_slice %arg10[%dma_wait3A_412, %dma_wait3A_413] : memref<2x1024xf32, #tpu.memory_space<vmem>> -> memref<2x896xf32, #tpu.memory_space<vmem>>
        %dma_wait3A_415 = arith.constant 48 : i32
        %dma_wait3A_416 = arith.constant 0 : i32
        %dma_wait3A_417 = tpu.memref_slice %arg5[%add3A_210, %dma_wait3A_415, %dma_wait3A_416] : memref<1024x50x1000xf32, #tpu.memory_space<hbm>> -> memref<1x2x896xf32, #tpu.memory_space<hbm>>
        %dma_wait3A_418 = tpu.memref_squeeze %dma_wait3A_417 : memref<1x2x896xf32, #tpu.memory_space<hbm>> -> memref<2x896xf32, #tpu.memory_space<hbm>>
        %dma_wait3A_419 = arith.constant 48 : i32
        %dma_wait3A_420 = arith.constant 0 : i32
        %dma_wait3A_421 = tpu.memref_slice %arg5[%add3A_210, %dma_wait3A_419, %dma_wait3A_420] : memref<1024x50x1000xf32, #tpu.memory_space<hbm>> -> memref<1x2x896xf32, #tpu.memory_space<hbm>>
        %dma_wait3A_422 = tpu.memref_squeeze %dma_wait3A_421 : memref<1x2x896xf32, #tpu.memory_space<hbm>> -> memref<2x896xf32, #tpu.memory_space<hbm>>
        %dma_wait3A_423 = arith.constant 0 : i32
        %dma_wait3A_424 = arith.constant 0 : i32
        %dma_wait3A_425 = tpu.memref_slice %arg10[%dma_wait3A_423, %dma_wait3A_424] : memref<2x1024xf32, #tpu.memory_space<vmem>> -> memref<2x896xf32, #tpu.memory_space<vmem>>
        tpu.wait_dma2 semaphore(%run_scoped3A : memref<!tpu.dma_semaphore, #tpu.memory_space<semaphore_mem>>) src(%dma_wait3A_425 : memref<2x896xf32, #tpu.memory_space<vmem>>) dst(%dma_wait3A_422 : memref<2x896xf32, #tpu.memory_space<hbm>>)
        tpu.yield
      }) : () -> ()
      %add3A_211 = arith.addi %mul3A_2, %mul3A_37 : i32
      "tpu.region"() ({
        %run_scoped3A = tpu.sem_alloc : memref<!tpu.dma_semaphore, #tpu.memory_space<semaphore_mem>>
        %dma_start3A_398 = arith.constant 0 : i32
        %dma_start3A_399 = arith.constant 896 : i32
        %dma_start3A_400 = tpu.memref_slice %arg5[%add3A_211, %dma_start3A_398, %dma_start3A_399] : memref<1024x50x1000xf32, #tpu.memory_space<hbm>> -> memref<1x50x104xf32, #tpu.memory_space<hbm>>
        %dma_start3A_401 = tpu.memref_squeeze %dma_start3A_400 : memref<1x50x104xf32, #tpu.memory_space<hbm>> -> memref<50x104xf32, #tpu.memory_space<hbm>>
        %dma_start3A_402 = arith.constant 0 : i32
        %dma_start3A_403 = arith.constant 896 : i32
        %dma_start3A_404 = tpu.memref_slice %arg5[%add3A_211, %dma_start3A_402, %dma_start3A_403] : memref<1024x50x1000xf32, #tpu.memory_space<hbm>> -> memref<1x50x104xf32, #tpu.memory_space<hbm>>
        %dma_start3A_405 = tpu.memref_squeeze %dma_start3A_404 : memref<1x50x104xf32, #tpu.memory_space<hbm>> -> memref<50x104xf32, #tpu.memory_space<hbm>>
        tpu.enqueue_dma source(%arg12 : memref<50x104xf32, #tpu.memory_space<vmem>>) target(%dma_start3A_405 : memref<50x104xf32, #tpu.memory_space<hbm>>) target_semaphore(%run_scoped3A : memref<!tpu.dma_semaphore, #tpu.memory_space<semaphore_mem>>)
        %dma_wait3A_406 = arith.constant 0 : i32
        %dma_wait3A_407 = arith.constant 896 : i32
        %dma_wait3A_408 = tpu.memref_slice %arg5[%add3A_211, %dma_wait3A_406, %dma_wait3A_407] : memref<1024x50x1000xf32, #tpu.memory_space<hbm>> -> memref<1x50x104xf32, #tpu.memory_space<hbm>>
        %dma_wait3A_409 = tpu.memref_squeeze %dma_wait3A_408 : memref<1x50x104xf32, #tpu.memory_space<hbm>> -> memref<50x104xf32, #tpu.memory_space<hbm>>
        %dma_wait3A_410 = arith.constant 0 : i32
        %dma_wait3A_411 = arith.constant 896 : i32
        %dma_wait3A_412 = tpu.memref_slice %arg5[%add3A_211, %dma_wait3A_410, %dma_wait3A_411] : memref<1024x50x1000xf32, #tpu.memory_space<hbm>> -> memref<1x50x104xf32, #tpu.memory_space<hbm>>
        %dma_wait3A_413 = tpu.memref_squeeze %dma_wait3A_412 : memref<1x50x104xf32, #tpu.memory_space<hbm>> -> memref<50x104xf32, #tpu.memory_space<hbm>>
        tpu.wait_dma2 semaphore(%run_scoped3A : memref<!tpu.dma_semaphore, #tpu.memory_space<semaphore_mem>>) src(%arg12 : memref<50x104xf32, #tpu.memory_space<vmem>>) dst(%dma_wait3A_413 : memref<50x104xf32, #tpu.memory_space<hbm>>)
        tpu.yield
      }) : () -> ()
      %add3A_212 = arith.constant 2 : i32
      %add3A_213 = arith.addi %mul3A_37, %add3A_212 : i32
      %lt3A = arith.constant 32 : i32
      %lt3A_214 = arith.cmpi slt, %add3A_213, %lt3A : i32
      %convert_element_type3A = arith.extui %lt3A_214 : i1 to i32
      %cond3A = arith.constant 0 : i32
      %cond3A_215 = arith.cmpi ne, %convert_element_type3A, %cond3A : i32
      scf.if %cond3A_215 {
        %add3A_398 = arith.constant 2 : i32
        %add3A_399 = arith.addi %mul3A_37, %add3A_398 : i32
        %dma_start3A_400 = arith.constant 0 : i32
        %dma_start3A_401 = tpu.memref_slice %arg6[%add3A_399, %dma_start3A_400] : memref<32x48xi32, #tpu.memory_space<vmem>> -> memref<1x48xi32, #tpu.memory_space<vmem>>
        %dma_start3A_402 = tpu.memref_squeeze %dma_start3A_401 : memref<1x48xi32, #tpu.memory_space<vmem>> -> memref<48xi32, #tpu.memory_space<vmem>>
        %dma_start3A_403 = arith.constant 0 : i32
        %dma_start3A_404 = arith.constant 0 : i32
        %dma_start3A_405 = tpu.memref_slice %arg2[%dma_start3A_403, %dma_start3A_404] : memref<1104x1024xf32, #tpu.memory_space<hbm>> -> memref<1104x1024xf32, #tpu.memory_space<hbm>>
        tpu.enqueue_indirect_dma source(%dma_start3A_405 : memref<1104x1024xf32, #tpu.memory_space<hbm>>) target(%arg8 : memref<48x1024xf32, #tpu.memory_space<vmem>>) offsets(%dma_start3A_402 : memref<48xi32, #tpu.memory_space<vmem>>) semaphore(%arg13 : memref<!tpu.dma_semaphore, #tpu.memory_space<semaphore_mem>>)
        %add3A_406 = arith.constant 2 : i32
        %add3A_407 = arith.addi %mul3A_37, %add3A_406 : i32
        %dma_start3A_408 = arith.constant 0 : i32
        %dma_start3A_409 = tpu.memref_slice %arg7[%add3A_407, %dma_start3A_408] : memref<32x2xi32, #tpu.memory_space<vmem>> -> memref<1x2xi32, #tpu.memory_space<vmem>>
        %dma_start3A_410 = tpu.memref_squeeze %dma_start3A_409 : memref<1x2xi32, #tpu.memory_space<vmem>> -> memref<2xi32, #tpu.memory_space<vmem>>
        %dma_start3A_411 = arith.constant 0 : i32
        %dma_start3A_412 = arith.constant 0 : i32
        %dma_start3A_413 = tpu.memref_slice %arg2[%dma_start3A_411, %dma_start3A_412] : memref<1104x1024xf32, #tpu.memory_space<hbm>> -> memref<1104x1024xf32, #tpu.memory_space<hbm>>
        tpu.enqueue_indirect_dma source(%dma_start3A_413 : memref<1104x1024xf32, #tpu.memory_space<hbm>>) target(%arg10 : memref<2x1024xf32, #tpu.memory_space<vmem>>) offsets(%dma_start3A_410 : memref<2xi32, #tpu.memory_space<vmem>>) semaphore(%arg15 : memref<!tpu.dma_semaphore, #tpu.memory_space<semaphore_mem>>)
      } else {
      }
      %dma_wait3A_216 = arith.constant 0 : i32
      %dma_wait3A_217 = tpu.memref_slice %arg6[%add3A_39, %dma_wait3A_216] : memref<32x48xi32, #tpu.memory_space<vmem>> -> memref<1x48xi32, #tpu.memory_space<vmem>>
      %dma_wait3A_218 = tpu.memref_squeeze %dma_wait3A_217 : memref<1x48xi32, #tpu.memory_space<vmem>> -> memref<48xi32, #tpu.memory_space<vmem>>
      %dma_wait3A_219 = arith.constant 0 : i32
      %dma_wait3A_220 = arith.constant 0 : i32
      %dma_wait3A_221 = tpu.memref_slice %arg2[%dma_wait3A_219, %dma_wait3A_220] : memref<1104x1024xf32, #tpu.memory_space<hbm>> -> memref<1104x1024xf32, #tpu.memory_space<hbm>>
      tpu.wait_indirect_dma semaphore(%arg14 : memref<!tpu.dma_semaphore, #tpu.memory_space<semaphore_mem>>) src(%dma_wait3A_221 : memref<1104x1024xf32, #tpu.memory_space<hbm>>) dst(%arg9 : memref<48x1024xf32, #tpu.memory_space<vmem>>)
      %dma_wait3A_222 = arith.constant 0 : i32
      %dma_wait3A_223 = tpu.memref_slice %arg7[%add3A_39, %dma_wait3A_222] : memref<32x2xi32, #tpu.memory_space<vmem>> -> memref<1x2xi32, #tpu.memory_space<vmem>>
      %dma_wait3A_224 = tpu.memref_squeeze %dma_wait3A_223 : memref<1x2xi32, #tpu.memory_space<vmem>> -> memref<2xi32, #tpu.memory_space<vmem>>
      %dma_wait3A_225 = arith.constant 0 : i32
      %dma_wait3A_226 = arith.constant 0 : i32
      %dma_wait3A_227 = tpu.memref_slice %arg2[%dma_wait3A_225, %dma_wait3A_226] : memref<1104x1024xf32, #tpu.memory_space<hbm>> -> memref<1104x1024xf32, #tpu.memory_space<hbm>>
      tpu.wait_indirect_dma semaphore(%arg16 : memref<!tpu.dma_semaphore, #tpu.memory_space<semaphore_mem>>) src(%dma_wait3A_227 : memref<1104x1024xf32, #tpu.memory_space<hbm>>) dst(%arg11 : memref<2x1024xf32, #tpu.memory_space<vmem>>)
      %scan3A_228 = arith.constant 0 : i32
      %scan3A_229 = arith.constant 0 : i32
      %scan3A_230 = arith.constant 48 : i32
      %scan3A_231 = arith.addi %scan3A_229, %scan3A_230 : i32
      %scan3A_232 = arith.constant 1 : i32
      scf.for %scan3A_398 = %scan3A_229 to %scan3A_231 step %scan3A_232  : i32 {
        %get3A_399 = arith.index_cast %scan3A_398 : i32 to index
        %get3A_400 = arith.constant 896 : index
        %get3A_401 = tpu.vector_load %arg9[%get3A_399, %get3A_400] {strides = array<i32>} : memref<48x1024xf32, #tpu.memory_space<vmem>>, vector<1x16xf32>,
        %get3A_402 = vector.shape_cast %get3A_401 : vector<1x16xf32> to vector<16xf32>
        %swap3A_403 = arith.index_cast %scan3A_398 : i32 to index
        %swap3A_404 = arith.constant 0 : index
        %swap3A_405 = tpu.vector_load %arg12[%swap3A_403, %swap3A_404] {strides = array<i32>} : memref<50x104xf32, #tpu.memory_space<vmem>>, vector<1x16xf32>,
        %swap3A_406 = vector.shape_cast %swap3A_405 : vector<1x16xf32> to vector<16xf32>
        %swap3A_407 = vector.shape_cast %get3A_402 : vector<16xf32> to vector<1x16xf32>
        tpu.vector_store %arg12[%swap3A_403, %swap3A_404], %swap3A_407 {strides = array<i32>} : memref<50x104xf32, #tpu.memory_space<vmem>>, vector<1x16xf32>,
        %get3A_408 = arith.index_cast %scan3A_398 : i32 to index
        %get3A_409 = arith.constant 912 : index
        %get3A_410 = tpu.vector_load %arg9[%get3A_408, %get3A_409] {strides = array<i32>} : memref<48x1024xf32, #tpu.memory_space<vmem>>, vector<1x16xf32>,
        %get3A_411 = vector.shape_cast %get3A_410 : vector<1x16xf32> to vector<16xf32>
        %swap3A_412 = arith.index_cast %scan3A_398 : i32 to index
        %swap3A_413 = arith.constant 16 : index
        %swap3A_414 = tpu.vector_load %arg12[%swap3A_412, %swap3A_413] {strides = array<i32>} : memref<50x104xf32, #tpu.memory_space<vmem>>, vector<1x16xf32>,
        %swap3A_415 = vector.shape_cast %swap3A_414 : vector<1x16xf32> to vector<16xf32>
        %swap3A_416 = vector.shape_cast %get3A_411 : vector<16xf32> to vector<1x16xf32>
        tpu.vector_store %arg12[%swap3A_412, %swap3A_413], %swap3A_416 {strides = array<i32>} : memref<50x104xf32, #tpu.memory_space<vmem>>, vector<1x16xf32>,
        %get3A_417 = arith.index_cast %scan3A_398 : i32 to index
        %get3A_418 = arith.constant 928 : index
        %get3A_419 = tpu.vector_load %arg9[%get3A_417, %get3A_418] {strides = array<i32>} : memref<48x1024xf32, #tpu.memory_space<vmem>>, vector<1x16xf32>,
        %get3A_420 = vector.shape_cast %get3A_419 : vector<1x16xf32> to vector<16xf32>
        %swap3A_421 = arith.index_cast %scan3A_398 : i32 to index
        %swap3A_422 = arith.constant 32 : index
        %swap3A_423 = tpu.vector_load %arg12[%swap3A_421, %swap3A_422] {strides = array<i32>} : memref<50x104xf32, #tpu.memory_space<vmem>>, vector<1x16xf32>,
        %swap3A_424 = vector.shape_cast %swap3A_423 : vector<1x16xf32> to vector<16xf32>
        %swap3A_425 = vector.shape_cast %get3A_420 : vector<16xf32> to vector<1x16xf32>
        tpu.vector_store %arg12[%swap3A_421, %swap3A_422], %swap3A_425 {strides = array<i32>} : memref<50x104xf32, #tpu.memory_space<vmem>>, vector<1x16xf32>,
        %get3A_426 = arith.index_cast %scan3A_398 : i32 to index
        %get3A_427 = arith.constant 944 : index
        %get3A_428 = tpu.vector_load %arg9[%get3A_426, %get3A_427] {strides = array<i32>} : memref<48x1024xf32, #tpu.memory_space<vmem>>, vector<1x16xf32>,
        %get3A_429 = vector.shape_cast %get3A_428 : vector<1x16xf32> to vector<16xf32>
        %swap3A_430 = arith.index_cast %scan3A_398 : i32 to index
        %swap3A_431 = arith.constant 48 : index
        %swap3A_432 = tpu.vector_load %arg12[%swap3A_430, %swap3A_431] {strides = array<i32>} : memref<50x104xf32, #tpu.memory_space<vmem>>, vector<1x16xf32>,
        %swap3A_433 = vector.shape_cast %swap3A_432 : vector<1x16xf32> to vector<16xf32>
        %swap3A_434 = vector.shape_cast %get3A_429 : vector<16xf32> to vector<1x16xf32>
        tpu.vector_store %arg12[%swap3A_430, %swap3A_431], %swap3A_434 {strides = array<i32>} : memref<50x104xf32, #tpu.memory_space<vmem>>, vector<1x16xf32>,
        %get3A_435 = arith.index_cast %scan3A_398 : i32 to index
        %get3A_436 = arith.constant 960 : index
        %get3A_437 = tpu.vector_load %arg9[%get3A_435, %get3A_436] {strides = array<i32>} : memref<48x1024xf32, #tpu.memory_space<vmem>>, vector<1x16xf32>,
        %get3A_438 = vector.shape_cast %get3A_437 : vector<1x16xf32> to vector<16xf32>
        %swap3A_439 = arith.index_cast %scan3A_398 : i32 to index
        %swap3A_440 = arith.constant 64 : index
        %swap3A_441 = tpu.vector_load %arg12[%swap3A_439, %swap3A_440] {strides = array<i32>} : memref<50x104xf32, #tpu.memory_space<vmem>>, vector<1x16xf32>,
        %swap3A_442 = vector.shape_cast %swap3A_441 : vector<1x16xf32> to vector<16xf32>
        %swap3A_443 = vector.shape_cast %get3A_438 : vector<16xf32> to vector<1x16xf32>
        tpu.vector_store %arg12[%swap3A_439, %swap3A_440], %swap3A_443 {strides = array<i32>} : memref<50x104xf32, #tpu.memory_space<vmem>>, vector<1x16xf32>,
        %get3A_444 = arith.index_cast %scan3A_398 : i32 to index
        %get3A_445 = arith.constant 976 : index
        %get3A_446 = tpu.vector_load %arg9[%get3A_444, %get3A_445] {strides = array<i32>} : memref<48x1024xf32, #tpu.memory_space<vmem>>, vector<1x16xf32>,
        %get3A_447 = vector.shape_cast %get3A_446 : vector<1x16xf32> to vector<16xf32>
        %swap3A_448 = arith.index_cast %scan3A_398 : i32 to index
        %swap3A_449 = arith.constant 80 : index
        %swap3A_450 = tpu.vector_load %arg12[%swap3A_448, %swap3A_449] {strides = array<i32>} : memref<50x104xf32, #tpu.memory_space<vmem>>, vector<1x16xf32>,
        %swap3A_451 = vector.shape_cast %swap3A_450 : vector<1x16xf32> to vector<16xf32>
        %swap3A_452 = vector.shape_cast %get3A_447 : vector<16xf32> to vector<1x16xf32>
        tpu.vector_store %arg12[%swap3A_448, %swap3A_449], %swap3A_452 {strides = array<i32>} : memref<50x104xf32, #tpu.memory_space<vmem>>, vector<1x16xf32>,
        %get3A_453 = arith.index_cast %scan3A_398 : i32 to index
        %get3A_454 = arith.constant 984 : index
        %get3A_455 = tpu.vector_load %arg9[%get3A_453, %get3A_454] {strides = array<i32>} : memref<48x1024xf32, #tpu.memory_space<vmem>>, vector<1x16xf32>,
        %get3A_456 = vector.shape_cast %get3A_455 : vector<1x16xf32> to vector<16xf32>
        %swap3A_457 = arith.index_cast %scan3A_398 : i32 to index
        %swap3A_458 = arith.constant 88 : index
        %swap3A_459 = tpu.vector_load %arg12[%swap3A_457, %swap3A_458] {strides = array<i32>} : memref<50x104xf32, #tpu.memory_space<vmem>>, vector<1x16xf32>,
        %swap3A_460 = vector.shape_cast %swap3A_459 : vector<1x16xf32> to vector<16xf32>
        %swap3A_461 = vector.shape_cast %get3A_456 : vector<16xf32> to vector<1x16xf32>
        tpu.vector_store %arg12[%swap3A_457, %swap3A_458], %swap3A_461 {strides = array<i32>} : memref<50x104xf32, #tpu.memory_space<vmem>>, vector<1x16xf32>,
      }
      %scan3A_233 = arith.constant 48 : i32
      %get3A_234 = arith.constant 0 : i32
      %get3A_235 = arith.index_cast %get3A_234 : i32 to index
      %get3A_236 = arith.constant 896 : index
      %get3A_237 = tpu.vector_load %arg11[%get3A_235, %get3A_236] {strides = array<i32>} : memref<2x1024xf32, #tpu.memory_space<vmem>>, vector<1x16xf32>,
      %get3A_238 = vector.shape_cast %get3A_237 : vector<1x16xf32> to vector<16xf32>
      %swap3A_239 = arith.constant 48 : i32
      %swap3A_240 = arith.index_cast %swap3A_239 : i32 to index
      %swap3A_241 = arith.constant 0 : index
      %swap3A_242 = tpu.vector_load %arg12[%swap3A_240, %swap3A_241] {strides = array<i32>} : memref<50x104xf32, #tpu.memory_space<vmem>>, vector<1x16xf32>,
      %swap3A_243 = vector.shape_cast %swap3A_242 : vector<1x16xf32> to vector<16xf32>
      %swap3A_244 = vector.shape_cast %get3A_238 : vector<16xf32> to vector<1x16xf32>
      tpu.vector_store %arg12[%swap3A_240, %swap3A_241], %swap3A_244 {strides = array<i32>} : memref<50x104xf32, #tpu.memory_space<vmem>>, vector<1x16xf32>,
      %get3A_245 = arith.constant 0 : i32
      %get3A_246 = arith.index_cast %get3A_245 : i32 to index
      %get3A_247 = arith.constant 912 : index
      %get3A_248 = tpu.vector_load %arg11[%get3A_246, %get3A_247] {strides = array<i32>} : memref<2x1024xf32, #tpu.memory_space<vmem>>, vector<1x16xf32>,
      %get3A_249 = vector.shape_cast %get3A_248 : vector<1x16xf32> to vector<16xf32>
      %swap3A_250 = arith.constant 48 : i32
      %swap3A_251 = arith.index_cast %swap3A_250 : i32 to index
      %swap3A_252 = arith.constant 16 : index
      %swap3A_253 = tpu.vector_load %arg12[%swap3A_251, %swap3A_252] {strides = array<i32>} : memref<50x104xf32, #tpu.memory_space<vmem>>, vector<1x16xf32>,
      %swap3A_254 = vector.shape_cast %swap3A_253 : vector<1x16xf32> to vector<16xf32>
      %swap3A_255 = vector.shape_cast %get3A_249 : vector<16xf32> to vector<1x16xf32>
      tpu.vector_store %arg12[%swap3A_251, %swap3A_252], %swap3A_255 {strides = array<i32>} : memref<50x104xf32, #tpu.memory_space<vmem>>, vector<1x16xf32>,
      %get3A_256 = arith.constant 0 : i32
      %get3A_257 = arith.index_cast %get3A_256 : i32 to index
      %get3A_258 = arith.constant 928 : index
      %get3A_259 = tpu.vector_load %arg11[%get3A_257, %get3A_258] {strides = array<i32>} : memref<2x1024xf32, #tpu.memory_space<vmem>>, vector<1x16xf32>,
      %get3A_260 = vector.shape_cast %get3A_259 : vector<1x16xf32> to vector<16xf32>
      %swap3A_261 = arith.constant 48 : i32
      %swap3A_262 = arith.index_cast %swap3A_261 : i32 to index
      %swap3A_263 = arith.constant 32 : index
      %swap3A_264 = tpu.vector_load %arg12[%swap3A_262, %swap3A_263] {strides = array<i32>} : memref<50x104xf32, #tpu.memory_space<vmem>>, vector<1x16xf32>,
      %swap3A_265 = vector.shape_cast %swap3A_264 : vector<1x16xf32> to vector<16xf32>
      %swap3A_266 = vector.shape_cast %get3A_260 : vector<16xf32> to vector<1x16xf32>
      tpu.vector_store %arg12[%swap3A_262, %swap3A_263], %swap3A_266 {strides = array<i32>} : memref<50x104xf32, #tpu.memory_space<vmem>>, vector<1x16xf32>,
      %get3A_267 = arith.constant 0 : i32
      %get3A_268 = arith.index_cast %get3A_267 : i32 to index
      %get3A_269 = arith.constant 944 : index
      %get3A_270 = tpu.vector_load %arg11[%get3A_268, %get3A_269] {strides = array<i32>} : memref<2x1024xf32, #tpu.memory_space<vmem>>, vector<1x16xf32>,
      %get3A_271 = vector.shape_cast %get3A_270 : vector<1x16xf32> to vector<16xf32>
      %swap3A_272 = arith.constant 48 : i32
      %swap3A_273 = arith.index_cast %swap3A_272 : i32 to index
      %swap3A_274 = arith.constant 48 : index
      %swap3A_275 = tpu.vector_load %arg12[%swap3A_273, %swap3A_274] {strides = array<i32>} : memref<50x104xf32, #tpu.memory_space<vmem>>, vector<1x16xf32>,
      %swap3A_276 = vector.shape_cast %swap3A_275 : vector<1x16xf32> to vector<16xf32>
      %swap3A_277 = vector.shape_cast %get3A_271 : vector<16xf32> to vector<1x16xf32>
      tpu.vector_store %arg12[%swap3A_273, %swap3A_274], %swap3A_277 {strides = array<i32>} : memref<50x104xf32, #tpu.memory_space<vmem>>, vector<1x16xf32>,
      %get3A_278 = arith.constant 0 : i32
      %get3A_279 = arith.index_cast %get3A_278 : i32 to index
      %get3A_280 = arith.constant 960 : index
      %get3A_281 = tpu.vector_load %arg11[%get3A_279, %get3A_280] {strides = array<i32>} : memref<2x1024xf32, #tpu.memory_space<vmem>>, vector<1x16xf32>,
      %get3A_282 = vector.shape_cast %get3A_281 : vector<1x16xf32> to vector<16xf32>
      %swap3A_283 = arith.constant 48 : i32
      %swap3A_284 = arith.index_cast %swap3A_283 : i32 to index
      %swap3A_285 = arith.constant 64 : index
      %swap3A_286 = tpu.vector_load %arg12[%swap3A_284, %swap3A_285] {strides = array<i32>} : memref<50x104xf32, #tpu.memory_space<vmem>>, vector<1x16xf32>,
      %swap3A_287 = vector.shape_cast %swap3A_286 : vector<1x16xf32> to vector<16xf32>
      %swap3A_288 = vector.shape_cast %get3A_282 : vector<16xf32> to vector<1x16xf32>
      tpu.vector_store %arg12[%swap3A_284, %swap3A_285], %swap3A_288 {strides = array<i32>} : memref<50x104xf32, #tpu.memory_space<vmem>>, vector<1x16xf32>,
      %get3A_289 = arith.constant 0 : i32
      %get3A_290 = arith.index_cast %get3A_289 : i32 to index
      %get3A_291 = arith.constant 976 : index
      %get3A_292 = tpu.vector_load %arg11[%get3A_290, %get3A_291] {strides = array<i32>} : memref<2x1024xf32, #tpu.memory_space<vmem>>, vector<1x16xf32>,
      %get3A_293 = vector.shape_cast %get3A_292 : vector<1x16xf32> to vector<16xf32>
      %swap3A_294 = arith.constant 48 : i32
      %swap3A_295 = arith.index_cast %swap3A_294 : i32 to index
      %swap3A_296 = arith.constant 80 : index
      %swap3A_297 = tpu.vector_load %arg12[%swap3A_295, %swap3A_296] {strides = array<i32>} : memref<50x104xf32, #tpu.memory_space<vmem>>, vector<1x16xf32>,
      %swap3A_298 = vector.shape_cast %swap3A_297 : vector<1x16xf32> to vector<16xf32>
      %swap3A_299 = vector.shape_cast %get3A_293 : vector<16xf32> to vector<1x16xf32>
      tpu.vector_store %arg12[%swap3A_295, %swap3A_296], %swap3A_299 {strides = array<i32>} : memref<50x104xf32, #tpu.memory_space<vmem>>, vector<1x16xf32>,
      %get3A_300 = arith.constant 0 : i32
      %get3A_301 = arith.index_cast %get3A_300 : i32 to index
      %get3A_302 = arith.constant 984 : index
      %get3A_303 = tpu.vector_load %arg11[%get3A_301, %get3A_302] {strides = array<i32>} : memref<2x1024xf32, #tpu.memory_space<vmem>>, vector<1x16xf32>,
      %get3A_304 = vector.shape_cast %get3A_303 : vector<1x16xf32> to vector<16xf32>
      %swap3A_305 = arith.constant 48 : i32
      %swap3A_306 = arith.index_cast %swap3A_305 : i32 to index
      %swap3A_307 = arith.constant 88 : index
      %swap3A_308 = tpu.vector_load %arg12[%swap3A_306, %swap3A_307] {strides = array<i32>} : memref<50x104xf32, #tpu.memory_space<vmem>>, vector<1x16xf32>,
      %swap3A_309 = vector.shape_cast %swap3A_308 : vector<1x16xf32> to vector<16xf32>
      %swap3A_310 = vector.shape_cast %get3A_304 : vector<16xf32> to vector<1x16xf32>
      tpu.vector_store %arg12[%swap3A_306, %swap3A_307], %swap3A_310 {strides = array<i32>} : memref<50x104xf32, #tpu.memory_space<vmem>>, vector<1x16xf32>,
      %get3A_311 = arith.constant 1 : i32
      %get3A_312 = arith.index_cast %get3A_311 : i32 to index
      %get3A_313 = arith.constant 896 : index
      %get3A_314 = tpu.vector_load %arg11[%get3A_312, %get3A_313] {strides = array<i32>} : memref<2x1024xf32, #tpu.memory_space<vmem>>, vector<1x16xf32>,
      %get3A_315 = vector.shape_cast %get3A_314 : vector<1x16xf32> to vector<16xf32>
      %swap3A_316 = arith.constant 49 : i32
      %swap3A_317 = arith.index_cast %swap3A_316 : i32 to index
      %swap3A_318 = arith.constant 0 : index
      %swap3A_319 = tpu.vector_load %arg12[%swap3A_317, %swap3A_318] {strides = array<i32>} : memref<50x104xf32, #tpu.memory_space<vmem>>, vector<1x16xf32>,
      %swap3A_320 = vector.shape_cast %swap3A_319 : vector<1x16xf32> to vector<16xf32>
      %swap3A_321 = vector.shape_cast %get3A_315 : vector<16xf32> to vector<1x16xf32>
      tpu.vector_store %arg12[%swap3A_317, %swap3A_318], %swap3A_321 {strides = array<i32>} : memref<50x104xf32, #tpu.memory_space<vmem>>, vector<1x16xf32>,
      %get3A_322 = arith.constant 1 : i32
      %get3A_323 = arith.index_cast %get3A_322 : i32 to index
      %get3A_324 = arith.constant 912 : index
      %get3A_325 = tpu.vector_load %arg11[%get3A_323, %get3A_324] {strides = array<i32>} : memref<2x1024xf32, #tpu.memory_space<vmem>>, vector<1x16xf32>,
      %get3A_326 = vector.shape_cast %get3A_325 : vector<1x16xf32> to vector<16xf32>
      %swap3A_327 = arith.constant 49 : i32
      %swap3A_328 = arith.index_cast %swap3A_327 : i32 to index
      %swap3A_329 = arith.constant 16 : index
      %swap3A_330 = tpu.vector_load %arg12[%swap3A_328, %swap3A_329] {strides = array<i32>} : memref<50x104xf32, #tpu.memory_space<vmem>>, vector<1x16xf32>,
      %swap3A_331 = vector.shape_cast %swap3A_330 : vector<1x16xf32> to vector<16xf32>
      %swap3A_332 = vector.shape_cast %get3A_326 : vector<16xf32> to vector<1x16xf32>
      tpu.vector_store %arg12[%swap3A_328, %swap3A_329], %swap3A_332 {strides = array<i32>} : memref<50x104xf32, #tpu.memory_space<vmem>>, vector<1x16xf32>,
      %get3A_333 = arith.constant 1 : i32
      %get3A_334 = arith.index_cast %get3A_333 : i32 to index
      %get3A_335 = arith.constant 928 : index
      %get3A_336 = tpu.vector_load %arg11[%get3A_334, %get3A_335] {strides = array<i32>} : memref<2x1024xf32, #tpu.memory_space<vmem>>, vector<1x16xf32>,
      %get3A_337 = vector.shape_cast %get3A_336 : vector<1x16xf32> to vector<16xf32>
      %swap3A_338 = arith.constant 49 : i32
      %swap3A_339 = arith.index_cast %swap3A_338 : i32 to index
      %swap3A_340 = arith.constant 32 : index
      %swap3A_341 = tpu.vector_load %arg12[%swap3A_339, %swap3A_340] {strides = array<i32>} : memref<50x104xf32, #tpu.memory_space<vmem>>, vector<1x16xf32>,
      %swap3A_342 = vector.shape_cast %swap3A_341 : vector<1x16xf32> to vector<16xf32>
      %swap3A_343 = vector.shape_cast %get3A_337 : vector<16xf32> to vector<1x16xf32>
      tpu.vector_store %arg12[%swap3A_339, %swap3A_340], %swap3A_343 {strides = array<i32>} : memref<50x104xf32, #tpu.memory_space<vmem>>, vector<1x16xf32>,
      %get3A_344 = arith.constant 1 : i32
      %get3A_345 = arith.index_cast %get3A_344 : i32 to index
      %get3A_346 = arith.constant 944 : index
      %get3A_347 = tpu.vector_load %arg11[%get3A_345, %get3A_346] {strides = array<i32>} : memref<2x1024xf32, #tpu.memory_space<vmem>>, vector<1x16xf32>,
      %get3A_348 = vector.shape_cast %get3A_347 : vector<1x16xf32> to vector<16xf32>
      %swap3A_349 = arith.constant 49 : i32
      %swap3A_350 = arith.index_cast %swap3A_349 : i32 to index
      %swap3A_351 = arith.constant 48 : index
      %swap3A_352 = tpu.vector_load %arg12[%swap3A_350, %swap3A_351] {strides = array<i32>} : memref<50x104xf32, #tpu.memory_space<vmem>>, vector<1x16xf32>,
      %swap3A_353 = vector.shape_cast %swap3A_352 : vector<1x16xf32> to vector<16xf32>
      %swap3A_354 = vector.shape_cast %get3A_348 : vector<16xf32> to vector<1x16xf32>
      tpu.vector_store %arg12[%swap3A_350, %swap3A_351], %swap3A_354 {strides = array<i32>} : memref<50x104xf32, #tpu.memory_space<vmem>>, vector<1x16xf32>,
      %get3A_355 = arith.constant 1 : i32
      %get3A_356 = arith.index_cast %get3A_355 : i32 to index
      %get3A_357 = arith.constant 960 : index
      %get3A_358 = tpu.vector_load %arg11[%get3A_356, %get3A_357] {strides = array<i32>} : memref<2x1024xf32, #tpu.memory_space<vmem>>, vector<1x16xf32>,
      %get3A_359 = vector.shape_cast %get3A_358 : vector<1x16xf32> to vector<16xf32>
      %swap3A_360 = arith.constant 49 : i32
      %swap3A_361 = arith.index_cast %swap3A_360 : i32 to index
      %swap3A_362 = arith.constant 64 : index
      %swap3A_363 = tpu.vector_load %arg12[%swap3A_361, %swap3A_362] {strides = array<i32>} : memref<50x104xf32, #tpu.memory_space<vmem>>, vector<1x16xf32>,
      %swap3A_364 = vector.shape_cast %swap3A_363 : vector<1x16xf32> to vector<16xf32>
      %swap3A_365 = vector.shape_cast %get3A_359 : vector<16xf32> to vector<1x16xf32>
      tpu.vector_store %arg12[%swap3A_361, %swap3A_362], %swap3A_365 {strides = array<i32>} : memref<50x104xf32, #tpu.memory_space<vmem>>, vector<1x16xf32>,
      %get3A_366 = arith.constant 1 : i32
      %get3A_367 = arith.index_cast %get3A_366 : i32 to index
      %get3A_368 = arith.constant 976 : index
      %get3A_369 = tpu.vector_load %arg11[%get3A_367, %get3A_368] {strides = array<i32>} : memref<2x1024xf32, #tpu.memory_space<vmem>>, vector<1x16xf32>,
      %get3A_370 = vector.shape_cast %get3A_369 : vector<1x16xf32> to vector<16xf32>
      %swap3A_371 = arith.constant 49 : i32
      %swap3A_372 = arith.index_cast %swap3A_371 : i32 to index
      %swap3A_373 = arith.constant 80 : index
      %swap3A_374 = tpu.vector_load %arg12[%swap3A_372, %swap3A_373] {strides = array<i32>} : memref<50x104xf32, #tpu.memory_space<vmem>>, vector<1x16xf32>,
      %swap3A_375 = vector.shape_cast %swap3A_374 : vector<1x16xf32> to vector<16xf32>
      %swap3A_376 = vector.shape_cast %get3A_370 : vector<16xf32> to vector<1x16xf32>
      tpu.vector_store %arg12[%swap3A_372, %swap3A_373], %swap3A_376 {strides = array<i32>} : memref<50x104xf32, #tpu.memory_space<vmem>>, vector<1x16xf32>,
      %get3A_377 = arith.constant 1 : i32
      %get3A_378 = arith.index_cast %get3A_377 : i32 to index
      %get3A_379 = arith.constant 984 : index
      %get3A_380 = tpu.vector_load %arg11[%get3A_378, %get3A_379] {strides = array<i32>} : memref<2x1024xf32, #tpu.memory_space<vmem>>, vector<1x16xf32>,
      %get3A_381 = vector.shape_cast %get3A_380 : vector<1x16xf32> to vector<16xf32>
      %swap3A_382 = arith.constant 49 : i32
      %swap3A_383 = arith.index_cast %swap3A_382 : i32 to index
      %swap3A_384 = arith.constant 88 : index
      %swap3A_385 = tpu.vector_load %arg12[%swap3A_383, %swap3A_384] {strides = array<i32>} : memref<50x104xf32, #tpu.memory_space<vmem>>, vector<1x16xf32>,
      %swap3A_386 = vector.shape_cast %swap3A_385 : vector<1x16xf32> to vector<16xf32>
      %swap3A_387 = vector.shape_cast %get3A_381 : vector<16xf32> to vector<1x16xf32>
      tpu.vector_store %arg12[%swap3A_383, %swap3A_384], %swap3A_387 {strides = array<i32>} : memref<50x104xf32, #tpu.memory_space<vmem>>, vector<1x16xf32>,
      %add3A_388 = arith.addi %mul3A_2, %add3A_39 : i32
      "tpu.region"() ({
        %run_scoped3A = tpu.sem_alloc : memref<!tpu.dma_semaphore, #tpu.memory_space<semaphore_mem>>
        %dma_start3A_398 = arith.constant 0 : i32
        %dma_start3A_399 = arith.constant 0 : i32
        %dma_start3A_400 = tpu.memref_slice %arg9[%dma_start3A_398, %dma_start3A_399] : memref<48x1024xf32, #tpu.memory_space<vmem>> -> memref<48x896xf32, #tpu.memory_space<vmem>>
        %dma_start3A_401 = arith.constant 0 : i32
        %dma_start3A_402 = arith.constant 0 : i32
        %dma_start3A_403 = tpu.memref_slice %arg5[%add3A_388, %dma_start3A_401, %dma_start3A_402] : memref<1024x50x1000xf32, #tpu.memory_space<hbm>> -> memref<1x48x896xf32, #tpu.memory_space<hbm>>
        %dma_start3A_404 = tpu.memref_squeeze %dma_start3A_403 : memref<1x48x896xf32, #tpu.memory_space<hbm>> -> memref<48x896xf32, #tpu.memory_space<hbm>>
        %dma_start3A_405 = arith.constant 0 : i32
        %dma_start3A_406 = arith.constant 0 : i32
        %dma_start3A_407 = tpu.memref_slice %arg5[%add3A_388, %dma_start3A_405, %dma_start3A_406] : memref<1024x50x1000xf32, #tpu.memory_space<hbm>> -> memref<1x48x896xf32, #tpu.memory_space<hbm>>
        %dma_start3A_408 = tpu.memref_squeeze %dma_start3A_407 : memref<1x48x896xf32, #tpu.memory_space<hbm>> -> memref<48x896xf32, #tpu.memory_space<hbm>>
        %dma_start3A_409 = arith.constant 0 : i32
        %dma_start3A_410 = arith.constant 0 : i32
        %dma_start3A_411 = tpu.memref_slice %arg9[%dma_start3A_409, %dma_start3A_410] : memref<48x1024xf32, #tpu.memory_space<vmem>> -> memref<48x896xf32, #tpu.memory_space<vmem>>
        tpu.enqueue_dma source(%dma_start3A_411 : memref<48x896xf32, #tpu.memory_space<vmem>>) target(%dma_start3A_408 : memref<48x896xf32, #tpu.memory_space<hbm>>) target_semaphore(%run_scoped3A : memref<!tpu.dma_semaphore, #tpu.memory_space<semaphore_mem>>)
        %dma_wait3A_412 = arith.constant 0 : i32
        %dma_wait3A_413 = arith.constant 0 : i32
        %dma_wait3A_414 = tpu.memref_slice %arg9[%dma_wait3A_412, %dma_wait3A_413] : memref<48x1024xf32, #tpu.memory_space<vmem>> -> memref<48x896xf32, #tpu.memory_space<vmem>>
        %dma_wait3A_415 = arith.constant 0 : i32
        %dma_wait3A_416 = arith.constant 0 : i32
        %dma_wait3A_417 = tpu.memref_slice %arg5[%add3A_388, %dma_wait3A_415, %dma_wait3A_416] : memref<1024x50x1000xf32, #tpu.memory_space<hbm>> -> memref<1x48x896xf32, #tpu.memory_space<hbm>>
        %dma_wait3A_418 = tpu.memref_squeeze %dma_wait3A_417 : memref<1x48x896xf32, #tpu.memory_space<hbm>> -> memref<48x896xf32, #tpu.memory_space<hbm>>
        %dma_wait3A_419 = arith.constant 0 : i32
        %dma_wait3A_420 = arith.constant 0 : i32
        %dma_wait3A_421 = tpu.memref_slice %arg5[%add3A_388, %dma_wait3A_419, %dma_wait3A_420] : memref<1024x50x1000xf32, #tpu.memory_space<hbm>> -> memref<1x48x896xf32, #tpu.memory_space<hbm>>
        %dma_wait3A_422 = tpu.memref_squeeze %dma_wait3A_421 : memref<1x48x896xf32, #tpu.memory_space<hbm>> -> memref<48x896xf32, #tpu.memory_space<hbm>>
        %dma_wait3A_423 = arith.constant 0 : i32
        %dma_wait3A_424 = arith.constant 0 : i32
        %dma_wait3A_425 = tpu.memref_slice %arg9[%dma_wait3A_423, %dma_wait3A_424] : memref<48x1024xf32, #tpu.memory_space<vmem>> -> memref<48x896xf32, #tpu.memory_space<vmem>>
        tpu.wait_dma2 semaphore(%run_scoped3A : memref<!tpu.dma_semaphore, #tpu.memory_space<semaphore_mem>>) src(%dma_wait3A_425 : memref<48x896xf32, #tpu.memory_space<vmem>>) dst(%dma_wait3A_422 : memref<48x896xf32, #tpu.memory_space<hbm>>)
        tpu.yield
      }) : () -> ()
      %add3A_389 = arith.addi %mul3A_2, %add3A_39 : i32
      "tpu.region"() ({
        %run_scoped3A = tpu.sem_alloc : memref<!tpu.dma_semaphore, #tpu.memory_space<semaphore_mem>>
        %dma_start3A_398 = arith.constant 0 : i32
        %dma_start3A_399 = arith.constant 0 : i32
        %dma_start3A_400 = tpu.memref_slice %arg11[%dma_start3A_398, %dma_start3A_399] : memref<2x1024xf32, #tpu.memory_space<vmem>> -> memref<2x896xf32, #tpu.memory_space<vmem>>
        %dma_start3A_401 = arith.constant 48 : i32
        %dma_start3A_402 = arith.constant 0 : i32
        %dma_start3A_403 = tpu.memref_slice %arg5[%add3A_389, %dma_start3A_401, %dma_start3A_402] : memref<1024x50x1000xf32, #tpu.memory_space<hbm>> -> memref<1x2x896xf32, #tpu.memory_space<hbm>>
        %dma_start3A_404 = tpu.memref_squeeze %dma_start3A_403 : memref<1x2x896xf32, #tpu.memory_space<hbm>> -> memref<2x896xf32, #tpu.memory_space<hbm>>
        %dma_start3A_405 = arith.constant 48 : i32
        %dma_start3A_406 = arith.constant 0 : i32
        %dma_start3A_407 = tpu.memref_slice %arg5[%add3A_389, %dma_start3A_405, %dma_start3A_406] : memref<1024x50x1000xf32, #tpu.memory_space<hbm>> -> memref<1x2x896xf32, #tpu.memory_space<hbm>>
        %dma_start3A_408 = tpu.memref_squeeze %dma_start3A_407 : memref<1x2x896xf32, #tpu.memory_space<hbm>> -> memref<2x896xf32, #tpu.memory_space<hbm>>
        %dma_start3A_409 = arith.constant 0 : i32
        %dma_start3A_410 = arith.constant 0 : i32
        %dma_start3A_411 = tpu.memref_slice %arg11[%dma_start3A_409, %dma_start3A_410] : memref<2x1024xf32, #tpu.memory_space<vmem>> -> memref<2x896xf32, #tpu.memory_space<vmem>>
        tpu.enqueue_dma source(%dma_start3A_411 : memref<2x896xf32, #tpu.memory_space<vmem>>) target(%dma_start3A_408 : memref<2x896xf32, #tpu.memory_space<hbm>>) target_semaphore(%run_scoped3A : memref<!tpu.dma_semaphore, #tpu.memory_space<semaphore_mem>>)
        %dma_wait3A_412 = arith.constant 0 : i32
        %dma_wait3A_413 = arith.constant 0 : i32
        %dma_wait3A_414 = tpu.memref_slice %arg11[%dma_wait3A_412, %dma_wait3A_413] : memref<2x1024xf32, #tpu.memory_space<vmem>> -> memref<2x896xf32, #tpu.memory_space<vmem>>
        %dma_wait3A_415 = arith.constant 48 : i32
        %dma_wait3A_416 = arith.constant 0 : i32
        %dma_wait3A_417 = tpu.memref_slice %arg5[%add3A_389, %dma_wait3A_415, %dma_wait3A_416] : memref<1024x50x1000xf32, #tpu.memory_space<hbm>> -> memref<1x2x896xf32, #tpu.memory_space<hbm>>
        %dma_wait3A_418 = tpu.memref_squeeze %dma_wait3A_417 : memref<1x2x896xf32, #tpu.memory_space<hbm>> -> memref<2x896xf32, #tpu.memory_space<hbm>>
        %dma_wait3A_419 = arith.constant 48 : i32
        %dma_wait3A_420 = arith.constant 0 : i32
        %dma_wait3A_421 = tpu.memref_slice %arg5[%add3A_389, %dma_wait3A_419, %dma_wait3A_420] : memref<1024x50x1000xf32, #tpu.memory_space<hbm>> -> memref<1x2x896xf32, #tpu.memory_space<hbm>>
        %dma_wait3A_422 = tpu.memref_squeeze %dma_wait3A_421 : memref<1x2x896xf32, #tpu.memory_space<hbm>> -> memref<2x896xf32, #tpu.memory_space<hbm>>
        %dma_wait3A_423 = arith.constant 0 : i32
        %dma_wait3A_424 = arith.constant 0 : i32
        %dma_wait3A_425 = tpu.memref_slice %arg11[%dma_wait3A_423, %dma_wait3A_424] : memref<2x1024xf32, #tpu.memory_space<vmem>> -> memref<2x896xf32, #tpu.memory_space<vmem>>
        tpu.wait_dma2 semaphore(%run_scoped3A : memref<!tpu.dma_semaphore, #tpu.memory_space<semaphore_mem>>) src(%dma_wait3A_425 : memref<2x896xf32, #tpu.memory_space<vmem>>) dst(%dma_wait3A_422 : memref<2x896xf32, #tpu.memory_space<hbm>>)
        tpu.yield
      }) : () -> ()
      %add3A_390 = arith.addi %mul3A_2, %add3A_39 : i32
      "tpu.region"() ({
        %run_scoped3A = tpu.sem_alloc : memref<!tpu.dma_semaphore, #tpu.memory_space<semaphore_mem>>
        %dma_start3A_398 = arith.constant 0 : i32
        %dma_start3A_399 = arith.constant 896 : i32
        %dma_start3A_400 = tpu.memref_slice %arg5[%add3A_390, %dma_start3A_398, %dma_start3A_399] : memref<1024x50x1000xf32, #tpu.memory_space<hbm>> -> memref<1x50x104xf32, #tpu.memory_space<hbm>>
        %dma_start3A_401 = tpu.memref_squeeze %dma_start3A_400 : memref<1x50x104xf32, #tpu.memory_space<hbm>> -> memref<50x104xf32, #tpu.memory_space<hbm>>
        %dma_start3A_402 = arith.constant 0 : i32
        %dma_start3A_403 = arith.constant 896 : i32
        %dma_start3A_404 = tpu.memref_slice %arg5[%add3A_390, %dma_start3A_402, %dma_start3A_403] : memref<1024x50x1000xf32, #tpu.memory_space<hbm>> -> memref<1x50x104xf32, #tpu.memory_space<hbm>>
        %dma_start3A_405 = tpu.memref_squeeze %dma_start3A_404 : memref<1x50x104xf32, #tpu.memory_space<hbm>> -> memref<50x104xf32, #tpu.memory_space<hbm>>
        tpu.enqueue_dma source(%arg12 : memref<50x104xf32, #tpu.memory_space<vmem>>) target(%dma_start3A_405 : memref<50x104xf32, #tpu.memory_space<hbm>>) target_semaphore(%run_scoped3A : memref<!tpu.dma_semaphore, #tpu.memory_space<semaphore_mem>>)
        %dma_wait3A_406 = arith.constant 0 : i32
        %dma_wait3A_407 = arith.constant 896 : i32
        %dma_wait3A_408 = tpu.memref_slice %arg5[%add3A_390, %dma_wait3A_406, %dma_wait3A_407] : memref<1024x50x1000xf32, #tpu.memory_space<hbm>> -> memref<1x50x104xf32, #tpu.memory_space<hbm>>
        %dma_wait3A_409 = tpu.memref_squeeze %dma_wait3A_408 : memref<1x50x104xf32, #tpu.memory_space<hbm>> -> memref<50x104xf32, #tpu.memory_space<hbm>>
        %dma_wait3A_410 = arith.constant 0 : i32
        %dma_wait3A_411 = arith.constant 896 : i32
        %dma_wait3A_412 = tpu.memref_slice %arg5[%add3A_390, %dma_wait3A_410, %dma_wait3A_411] : memref<1024x50x1000xf32, #tpu.memory_space<hbm>> -> memref<1x50x104xf32, #tpu.memory_space<hbm>>
        %dma_wait3A_413 = tpu.memref_squeeze %dma_wait3A_412 : memref<1x50x104xf32, #tpu.memory_space<hbm>> -> memref<50x104xf32, #tpu.memory_space<hbm>>
        tpu.wait_dma2 semaphore(%run_scoped3A : memref<!tpu.dma_semaphore, #tpu.memory_space<semaphore_mem>>) src(%arg12 : memref<50x104xf32, #tpu.memory_space<vmem>>) dst(%dma_wait3A_413 : memref<50x104xf32, #tpu.memory_space<hbm>>)
        tpu.yield
      }) : () -> ()
      %add3A_391 = arith.constant 2 : i32
      %add3A_392 = arith.addi %add3A_39, %add3A_391 : i32
      %lt3A_393 = arith.constant 32 : i32
      %lt3A_394 = arith.cmpi slt, %add3A_392, %lt3A_393 : i32
      %convert_element_type3A_395 = arith.extui %lt3A_394 : i1 to i32
      %cond3A_396 = arith.constant 0 : i32
      %cond3A_397 = arith.cmpi ne, %convert_element_type3A_395, %cond3A_396 : i32
      scf.if %cond3A_397 {
        %add3A_398 = arith.constant 2 : i32
        %add3A_399 = arith.addi %add3A_39, %add3A_398 : i32
        %dma_start3A_400 = arith.constant 0 : i32
        %dma_start3A_401 = tpu.memref_slice %arg6[%add3A_399, %dma_start3A_400] : memref<32x48xi32, #tpu.memory_space<vmem>> -> memref<1x48xi32, #tpu.memory_space<vmem>>
        %dma_start3A_402 = tpu.memref_squeeze %dma_start3A_401 : memref<1x48xi32, #tpu.memory_space<vmem>> -> memref<48xi32, #tpu.memory_space<vmem>>
        %dma_start3A_403 = arith.constant 0 : i32
        %dma_start3A_404 = arith.constant 0 : i32
        %dma_start3A_405 = tpu.memref_slice %arg2[%dma_start3A_403, %dma_start3A_404] : memref<1104x1024xf32, #tpu.memory_space<hbm>> -> memref<1104x1024xf32, #tpu.memory_space<hbm>>
        tpu.enqueue_indirect_dma source(%dma_start3A_405 : memref<1104x1024xf32, #tpu.memory_space<hbm>>) target(%arg9 : memref<48x1024xf32, #tpu.memory_space<vmem>>) offsets(%dma_start3A_402 : memref<48xi32, #tpu.memory_space<vmem>>) semaphore(%arg14 : memref<!tpu.dma_semaphore, #tpu.memory_space<semaphore_mem>>)
        %add3A_406 = arith.constant 2 : i32
        %add3A_407 = arith.addi %add3A_39, %add3A_406 : i32
        %dma_start3A_408 = arith.constant 0 : i32
        %dma_start3A_409 = tpu.memref_slice %arg7[%add3A_407, %dma_start3A_408] : memref<32x2xi32, #tpu.memory_space<vmem>> -> memref<1x2xi32, #tpu.memory_space<vmem>>
        %dma_start3A_410 = tpu.memref_squeeze %dma_start3A_409 : memref<1x2xi32, #tpu.memory_space<vmem>> -> memref<2xi32, #tpu.memory_space<vmem>>
        %dma_start3A_411 = arith.constant 0 : i32
        %dma_start3A_412 = arith.constant 0 : i32
        %dma_start3A_413 = tpu.memref_slice %arg2[%dma_start3A_411, %dma_start3A_412] : memref<1104x1024xf32, #tpu.memory_space<hbm>> -> memref<1104x1024xf32, #tpu.memory_space<hbm>>
        tpu.enqueue_indirect_dma source(%dma_start3A_413 : memref<1104x1024xf32, #tpu.memory_space<hbm>>) target(%arg11 : memref<2x1024xf32, #tpu.memory_space<vmem>>) offsets(%dma_start3A_410 : memref<2xi32, #tpu.memory_space<vmem>>) semaphore(%arg16 : memref<!tpu.dma_semaphore, #tpu.memory_space<semaphore_mem>>)
      } else {
      }
    }
    %scan3A_34 = arith.constant 16 : i32
    return
  }
}

module attributes {stable_mosaic.version = 14 : i64} {
  func.func @_tc_transpose_body(%arg0: i32, %arg1: i32, %arg2: memref<128x50x128xf32, #tpu.memory_space<vmem>>, %arg3: memref<50x128x128xf32, #tpu.memory_space<vmem>>) attributes {dimension_semantics = [#tpu.dimension_semantics<arbitrary>, #tpu.dimension_semantics<arbitrary>], iteration_bounds = array<i64: 8, 8>, scalar_prefetch = 0 : i64, scratch_operands = 0 : i64, tpu.core_type = #tpu.core_type<tc>, window_params = [{transform_indices = @transform_0, window_bounds = array<i64: 128, 50, 128>}, {transform_indices = @transform_1, window_bounds = array<i64: 50, 128, 128>}]} {
    %get3A = arith.constant 0 : index
    %get3A_0 = arith.constant 0 : index
    %get3A_1 = arith.constant 0 : index
    %get3A_2 = vector.load %arg2[%get3A, %get3A_0, %get3A_1] : memref<128x50x128xf32, #tpu.memory_space<vmem>>, vector<128x50x128xf32>
    %transpose3A = tpu.transpose %get3A_2, [1, 2, 0] : vector<128x50x128xf32> -> vector<50x128x128xf32>
    %swap3A = arith.constant 0 : index
    %swap3A_3 = arith.constant 0 : index
    %swap3A_4 = arith.constant 0 : index
    %swap3A_5 = vector.load %arg3[%swap3A, %swap3A_3, %swap3A_4] : memref<50x128x128xf32, #tpu.memory_space<vmem>>, vector<50x128x128xf32>
    tpu.vector_store %arg3[%swap3A, %swap3A_3, %swap3A_4], %transpose3A {strides = array<i32>} : memref<50x128x128xf32, #tpu.memory_space<vmem>>, vector<50x128x128xf32>,
    return
  }
  func.func @transform_0(%arg0: i32, %arg1: i32) -> (i32, i32, i32) {
    %c0_i32 = arith.constant 0 : i32
    %c0_i32_0 = arith.constant 0 : i32
    return %arg0, %c0_i32, %arg1 : i32, i32, i32
  }
  func.func @transform_1(%arg0: i32, %arg1: i32) -> (i32, i32, i32) {
    %c0_i32 = arith.constant 0 : i32
    %c0_i32_0 = arith.constant 0 : i32
    return %c0_i32, %arg1, %arg0 : i32, i32, i32
  }
}

</mosaic_0001>

<sc_bundles>
// kernel: kernel.4.cloned.1.call-start
scs
__scs_entry_jumppad:
0x0: {  	(pc) =	sbr.rel $0x88, $3  }
0x1: {  	(tag) =	ssettag $0x0;
	lr =	simm.s32 $0x1  }
0x2: {  	[smem:$0x3F9F] =	sst lr;
	_ =	strace $0xD0000000  }
0x3: {  	_ = 	snop  }
0x4: {  	_ = 	snop  }
0x5: {  	_ = 	snop  }
0x6: {  	_ = 	snop  }
0x7: {  	_ = 	snop  }
__scs_overlays_trampoline_lowered:
0x8: {  	[smem:$0x3FAE] =	sst s0  }
0x9: {  	[smem:$0x3FAF] =	sst s1  }
0xa: {  	[smem:$0x3FB0] =	sst s2  }
0xb: {  	[smem:$0x3FB1] =	sst s3  }
0xc: {  	[smem:$0x3FB2] =	sst s4  }
0xd: {  	[smem:$0x3FB3] =	sst s5  }
0xe: {  	[smem:$0x3FB4] =	sst s6  }
0xf: {  	[smem:$0x3FB5] =	sst s7  }
0x10: {  	[smem:$0x3FB6] =	sst s8  }
0x11: {  	[smem:$0x3FB7] =	sst s9;
	s0 =	simm.s32 @!p0 $0x0  }
0x12: {  	s1 =	sld [smem:$0x3F9D];
	s0 =	simm.s32 @p0 $0x1  }
0x13: {  	[smem:$0x3FB8] =	sst s0;
	s0 =	simm.s32 @!p1 $0x0  }
0x14: {  	s2 =	sld [smem:$0x3F9C];
	s0 =	simm.s32 @p1 $0x1  }
0x15: {  	[smem:$0x3FB9] =	sst s0;
	s0 =	simm.s32 @!p2 $0x0  }
0x16: {  	s3 =	sld [smem:$0x3FDB];
	s0 =	simm.s32 @p2 $0x1  }
0x17: {  	s4 =	simm.s32 $0x1BF5;
	[smem:$0x3FBB] =	sst s0  }
0x18: {  	s0 =	sld [smem:$0x3F9E];
	_ =	swait.ge [sflag:s4], $0x0  }
0x19: {  	s7 =	sld [smem:$0x3F9F]  }
0x1a: {  	s8 =	sadd.s32 $0xFFFFE003, lr  }
0x1b: {  	s9 =	sadd.s32 $0xFFFFFEF7, lr;
	s5 =	simm.s32 $0xFFFFFFFF;
	p2 =	slt.u32 s8, $0xFFFFF086  }
0x1c: {  	p1 =	slt.u32 s9, $0xF7A;
	s5 =	simm.s32 @!p2 $0x0  }
0x1d: {  	s5 =	simm.s32 @p1 $0x1;
	p0 =	seq.s32 s7, s2  }
0x1e: {  	s7 =	smul.u32 @!p0 $0xF7A, s2;
	p2 =	seq.s32 @!p0 s5, $0x0  }
0x1f: {  	s9 =	smul.u32 $0xF7A, s1;
	s8 =	simm.s32 @!p0 $0x1BF5;
	p2 =	por !p2, p0  }
0x20: {  	[sflag:s8] =	ssyncset.s32 @!p0 $0xFFFFF086;
	s6 =	sadd.s32 @!p0 s3, s7;
	s7 =	simm.s32 @!p0 $0x108  }
0x21: {  	s3 =	sadd.s32 s3, s9;
	s6 =	sadd.s32 @!p0 $0x88, s6;
	s7 =	simm.s32 @p2 $0x1082  }
0x22: {  	[simem:s7], [sflag:s8] =	dma.local @!p0 [hbm:s6], $0xF7A  }
0x23: {  	s9 =	sor.u32 $0xD0000000, s2;
	s6 =	simm.s32 $0x108;
	_ =	swait.ge @!p0 [sflag:s8], $0x0  }
0x24: {  	s3 =	sadd.s32 $0x88, s3;
	s6 =	simm.s32 @!p1 $0x1082;
	[sflag:s4] =	ssyncset.s32 $0xFFFFF086  }
0x25: {  	[simem:s6], [sflag:s4] =	dma.local [hbm:s3], $0xF7A  }
0x26: {  	[smem:$0x3F9F] =	sst s1;
	(tag) =	ssettag s2;
	_ =	strace s9  }
0x27: {  	s1 =	sld [smem:$0x3FAF]  }
0x28: {  	s2 =	sld [smem:$0x3FB0]  }
0x29: {  	s4 =	sld [smem:$0x3FB2]  }
0x2a: {  	p0 =	seq.s32 s5, $0x0;
	s5 =	sld [smem:$0x3FB3]  }
0x2b: {  	s6 =	sld [smem:$0x3FB4]  }
0x2c: {  	s7 =	sld [smem:$0x3FB5]  }
0x2d: {  	s3 =	simm.s32 $0x108;
	s8 =	sld [smem:$0x3FB6]  }
0x2e: {  	s3 =	simm.s32 @!p0 $0x1082;
	s9 =	sld [smem:$0x3FB7]  }
0x2f: {  	lr =	sadd.s32 s0, s3;
	s0 =	sld [smem:$0x3FAE]  }
0x30: {  	s3 =	sld [smem:$0x3FB1]  }
0x31: {  	[smem:$0x3FBA] =	sst s10  }
0x32: {  	s10 =	sld [smem:$0x3FB8];
	_ =	sdelay $0x3  }
0x33: {  	p0 =	seq.s32 s10, $0x1;
	s10 =	sld [smem:$0x3FBA];
	_ =	sdelay $0x3  }
0x34: {  	[smem:$0x3FBA] =	sst s10  }
0x35: {  	s10 =	sld [smem:$0x3FB9];
	_ =	sdelay $0x3  }
0x36: {  	p1 =	seq.s32 s10, $0x1;
	s10 =	sld [smem:$0x3FBA];
	_ =	sdelay $0x3  }
0x37: {  	[smem:$0x3FBA] =	sst s10  }
0x38: {  	s10 =	sld [smem:$0x3FBB]  }
0x39: {  	_ = 	snop;
	(pc) =	sbr.ind lr, $3  }
0x3a: {  	_ = 	snop  }
0x3b: {  	_ = 	snop  }
0x3c: {  	p2 =	seq.s32 s10, $0x1;
	s10 =	sld [smem:$0x3FBA]  }
0x3d: {  	_ =	shalt  }
0x3e: {  	_ =	shalt  }
0x3f: {  	_ =	shalt  }
0x40: {  	_ =	shalt  }
0x41: {  	_ =	shalt  }
0x42: {  	_ =	shalt  }
0x43: {  	_ =	shalt  }
0x44: {  	_ =	shalt  }
0x45: {  	_ =	shalt  }
0x46: {  	_ =	shalt  }
0x47: {  	_ =	shalt  }
0x48: {  	_ =	shalt  }
0x49: {  	_ =	shalt  }
0x4a: {  	_ =	shalt  }
0x4b: {  	_ =	shalt  }
0x4c: {  	_ =	shalt  }
0x4d: {  	_ =	shalt  }
0x4e: {  	_ =	shalt  }
0x4f: {  	_ =	shalt  }
0x50: {  	_ =	shalt  }
0x51: {  	_ =	shalt  }
0x52: {  	_ =	shalt  }
0x53: {  	_ =	shalt  }
0x54: {  	_ =	shalt  }
0x55: {  	_ =	shalt  }
0x56: {  	_ =	shalt  }
0x57: {  	_ =	shalt  }
0x58: {  	_ =	shalt  }
0x59: {  	_ =	shalt  }
0x5a: {  	_ =	shalt  }
0x5b: {  	_ =	shalt  }
0x5c: {  	_ =	shalt  }
0x5d: {  	_ =	shalt  }
0x5e: {  	_ =	shalt  }
0x5f: {  	_ =	shalt  }
0x60: {  	_ =	shalt  }
0x61: {  	_ =	shalt  }
0x62: {  	_ =	shalt  }
0x63: {  	_ =	shalt  }
0x64: {  	_ =	shalt  }
0x65: {  	_ =	shalt  }
0x66: {  	_ =	shalt  }
0x67: {  	_ =	shalt  }
0x68: {  	_ =	shalt  }
0x69: {  	_ =	shalt  }
0x6a: {  	_ =	shalt  }
0x6b: {  	_ =	shalt  }
0x6c: {  	_ =	shalt  }
0x6d: {  	_ =	shalt  }
0x6e: {  	_ =	shalt  }
0x6f: {  	_ =	shalt  }
0x70: {  	_ =	shalt  }
0x71: {  	_ =	shalt  }
0x72: {  	_ =	shalt  }
0x73: {  	_ =	shalt  }
0x74: {  	_ =	shalt  }
0x75: {  	_ =	shalt  }
0x76: {  	_ =	shalt  }
0x77: {  	_ =	shalt  }
0x78: {  	_ =	shalt  }
0x79: {  	_ =	shalt  }
0x7a: {  	_ =	shalt  }
0x7b: {  	_ =	shalt  }
0x7c: {  	_ =	shalt  }
0x7d: {  	_ =	shalt  }
0x7e: {  	_ =	shalt  }
0x7f: {  	_ =	shalt  }
0x80: {  	_ =	shalt  }
0x81: {  	_ =	shalt  }
0x82: {  	_ =	shalt  }
0x83: {  	_ =	shalt  }
0x84: {  	_ =	shalt  }
0x85: {  	_ =	shalt  }
0x86: {  	_ =	shalt  }
0x87: {  	_ =	shalt  }
.Lfunc_end0:
.L_simem_size_0:
called_computation_lowered:
.L_overlay_start_0:
0x88: {  	s2 =	sld [smem:$0x3FD9]  }
0x89: {  	s3 =	sld [smem:$0x3FFE];
	_ =	sdelay $0x1  }
0x8a: {  	s1 =	srdreg.scid  }
0x8b: {  	s0 =	sand.u32 $0x1, s1  }
0x8c: {  	s17 =	sshll.u32 s0, $0xA;
	s2 =	sadd.s32 s3, s2  }
0x8d: {  	s2 =	sadd.s32 s2, s17  }
0x8e: {  	[smem:$0x3FC6] =	sst s2  }
0x8f: {  	_ = 	snop  }
0x90: {  	s2 =	sld [smem:$0x3FD0];
	(tm) =	ssettm $0x1  }
0x91: {  	s18 =	sld [smem:$0x3FFB];
	_ =	sdelay $0x3  }
0x92: {  	_ =	strace s18  }
0x93: {  	s3 =	sld [smem:$0x3FFC];
	_ =	sdelay $0x3  }
0x94: {  	_ =	strace s3  }
0x95: {  	s3 =	sld [smem:$0x3FFD];
	_ =	sdelay $0x3  }
0x96: {  	_ =	strace s3  }
0x97: {  	_ =	strace $0x8FFFFFFF  }
0x98: {  	s19 =	sld [smem:$0x3FDB];
	_ =	sdelay $0x1  }
0x99: {  	s4 =	simm.s32 $_scs_section_size  }
0x9a: {  	s5 =	simm.s32 $_size__tile_overlayer_lowered;
	s6 =	simm.s32 $_tile_overlayer_lowered  }
0x9b: {  	s22 =	simm.s32 $0x1BFF;
	s21 =	sshll.u32 s6, $0x1;
	s3 =	sadd.s32 s4, s19  }
0x9c: {  	s7 =	simm.s32 $0x0;
	s20 =	sshll.u32 s5, $0x1;
	s5 =	sadd.s32 s21, s3  }
0x9d: {  	[timem:s7], [sflag:s22] =	dma.local [hbm:s5], s20  }
0x9e: {  	_ =	swait.ge [sflag:s22], s20  }
0x9f: {  	s4 =	ssub.s32 $0x0, s20;
	[sflag:s22] =	ssyncset.done $0x0  }
0xa0: {  	[sflag:s22] =	ssyncadd.s32 s4;
	_ =	sdelay $0x1  }
0xa1: {  	s23 =	simm.s32 $0x1B8B  }
0xa2: {  	_ =	swait.ge [sflag:s23], $0x1  }
0xa3: {  	[sflag:s23] =	ssyncset.done $0x0  }
0xa4: {  	s25 =	simm.s32 $0x1B8E;
	s24 =	sld [smem:$0x3FFE];
	[sflag:s23] =	ssyncadd.s32 $0xFFFFFFFF  }
0xa5: {  	s26 =	simm.s32 $execute0_lowered;
	[smem:$0x3FD2] =	sst s25  }
0xa6: {  	s5 =	sshll.u32 s26, $0x1;
	_ =	strace $0x80000046;
	[dreg:$0x1] =	wrdreg $0xFFFFFFFF  }
0xa7: {  	s28 =	simm.s32 $_size_execute0_lowered;
	s3 =	sadd.s32 s3, s5;
	[dreg:$0x0] =	wrdreg $0x0  }
0xa8: {  	s5 =	sshll.u32 s28, $0x1;
	[dreg:$0x2] =	wrdreg s3  }
0xa9: {  	[dreg:$0x3] =	wrdreg s5  }
0xaa: {  	[dreg:$0x4] =	wrdreg $0xC0  }
0xab: {  	_ =	task [dreg:s7], $0x5FFFF  }
0xac: {  	[dreg:$0x1] =	wrdreg $0xFFFFFFFF  }
0xad: {  	[dreg:$0x0] =	wrdreg $0x60  }
0xae: {  	[dreg:$0x2] =	wrdreg s2  }
0xaf: {  	[dreg:$0x3] =	wrdreg s24  }
0xb0: {  	[dreg:$0x4] =	wrdreg $0x9  }
0xb1: {  	_ =	task.clear_ibuf [dreg:s7], $0x5FFFF;
	_ =	strace $0x90000046  }
0xb2: {  	s29 =	simm.s32 $0x9;
	_ =	strace $0x80000048  }
0xb3: {  	_ =	swait.ge [sflag:s29], $0x1  }
0xb4: {  	[sflag:s29] =	ssyncadd.s32 $0xFFFFFFFF  }
0xb5: {  	_ =	strace $0x90000048  }
0xb6: {  	_ =	sfence  }
0xb7: {  	s30 =	sld [smem:$0x0];
	_ =	sdelay $0x2  }
0xb8: {  	s31 =	sshll.u32 s1, $0xD;
	s1 =	sshrl.u32 s1, $0x2  }
0xb9: {  	s3 =	sand.u32 $0x4000, s31;
	s1 =	sadd.s32 s1, s30  }
0xba: {  	s0 =	sor.u32 s3, s0;
	s1 =	sshll.u32 s1, $0x11  }
0xbb: {  	s0 =	sor.u32 s1, s0  }
0xbc: {  	s0 =	sadd.s32 $0x8F2B, s0  }
0xbd: {  	[sflag:s0] =	ssyncadd.remote.s32 $0x1  }
0xbe: {  	_ =	sfence.sel $0xFFFF  }
0xbf: {  	[dreg:$0x0] =	wrdreg $0xFFFFFFFF;
	(pc) =	sbr.abs _section_cstart, $3  }
0xc0: {  	[dreg:$0x1] =	wrdreg $0xFFFFFFFF  }
0xc1: {  	_ =	task.clear_ibuf [dreg:s7], $0x2FFFF;
	_ =	strace $0x9FFFFFFF  }
0xc2: {  	(tm) =	ssettm $0x7FFFFFFF  }
0xc3: {  	_ =	shalt  }
tec
execute0_lowered:
.L_overlay_start_1:
0x0: {  	(tag) =	ssettag $0x1  }
0x1: {  	s2 =	rddreg [dreg:$0x0]  }
0x2: {  	s0 =	rddreg [dreg:$0x1]  }
0x3: {  	s1 =	srdreg.scid;
	s4 =	stileid.u32;
	s3 =	simm.s32 $0x0  }
0x4: {  	s13 =	simm.s32 $0x5;
	s15 =	simm.s32 $0x2000;
	s18 =	simm.s32 $0xE000  }
0x5: {  	s20 =	simm.s32 $0x10000;
	s31 =	simm.s32 $0x12000;
	s12 =	simm.s32 $0x14000  }
0x6: {  	s22 =	simm.s32 $0x16000;
	s30 =	simm.s32 $0x18000;
	s16 =	simm.s32 $0x1A800  }
0x7: {  	s17 =	simm.s32 $0x1;
	s21 =	simm.s32 $0x3;
	s24 =	simm.s32 $0x100  }
0x8: {  	s29 =	simm.s32 $0x1B000;
	s14 =	simm.s32 $0x2;
	s1 =	sand.u32 $0x1, s1  }
0x9: {  	s4 =	sshll.u32 s4, $0x1;
	[smem:$0x7FF] =	sst s3;
	s8 =	sadd.s32 $0x100, s2  }
0xa: {  	s9 =	sadd.s32 $0x200, s2;
	s10 =	sadd.s32 $0x300, s2;
	s11 =	sadd.s32 $0x8980, s0  }
0xb: {  	v0 =	vimm.s32 $0xFEDCBA98;
	s5 =	sor.u32 s1, s4;
	s1 =	ssub.s32 $0x2, s1;
	_ =	strace $0x80000047  }
0xc: {  	v1 =	vimm.s32 $0x76543210;
	v2 =	vunpack.c.l.s4.s8 v0;
	s4 =	sshll.u32 s5, $0x9;
	s6 =	sshrl.u32 s1, $0x1;
	s5 =	sshll.u32 s5, $0x5  }
.Ltmp0:
0xd: {  	v4 =	vlaneseq.u32;
	vm0 =	vmmov $0xffff;
	v5 =	vunpack.c.l.s4.s8 v1;
	s7 =	sadd.s32 s4, s0;
	s4 =	sadd.s32 $0x8600, s0;
	(pc) =	sbr.rel .LBB2_1-.Ltmp0, $4  }
0xe: {  	v3 =	vshrl.u32 v4, $0x3;
	v0 =	vand.u32 $0x7, v4;
	v6 =	vunpack.c.0.s8.s32 v2;
	s1 =	ssub.s32 s1, s6;
	[dreg:$0x3] =	wrdreg s5;
	s25 =	sadd.s32 $0x600, s7  }
0xf: {  	v1 =	vmul.u32 $0x8, v3;
	v3 =	vand.u32 $0x1, v4;
	v5 =	vunpack.c.0.s8.s32 v5;
	s6 =	simm.s32 $0x4;
	s26 =	sadd.s32 $0x4600, s7;
	[dreg:$0x4] =	wrdreg s25  }
0x10: {  	v2 =	vor.u32 $0x8, v4;
	v4 =	vshrl.u32 v4, $0x1;
	s5 =	simm.s32 $0x0;
	s28 =	smax.u32 s1, $0x1;
	v6 =	vand.u32 $0xF, v6;
	[dreg:$0x5] =	wrdreg s26  }
0x11: {  	vm1 =	vmmov $0xff;
	v4 =	vmul.u32 $0x8, v4;
	s1 =	simm.s32 $0x1C800;
	[dreg:$0x6] =	wrdreg s28;
	s26 =	simm.s32 $0x400;
	v5 =	vcombine.low v6, v5  }
.LBB2_10:
0x12: {  	s5 =	rddreg [dreg:$0x7]  }
0x13: {  	s0 =	rddreg [dreg:$0x6];
	s5 =	sadd.s32 $0x1, s5  }
0x14: {  	p0 =	sne.s32 s5, s0  }
.Ltmp1:
0x15: {  	_ = 	snop;
	(pc) =	sbr.rel @!p0 .LBB2_11-.Ltmp1, $1  }
0x16: {  	_ =	sdelay $0x3  }
.LBB2_1:
0x17: {  	[dreg:$0x7] =	wrdreg s5  }
0x18: {  	s0 =	rddreg [dreg:$0x4]  }
0x19: {  	[tilespmem:s3], [sflag:$0x5] =	stream.linear.gather [hbm4b:s0+s3], $0x1000, $0x38;
	[tilespmem:$0x1CC00] =	vst v63  }
0x1a: {  	_ =	swait.ge [sflag:s13], $0x1000  }
0x1b: {  	[sflag:s13] =	ssyncset.done $0x0  }
0x1c: {  	s23 =	simm.s32 $0x1000;
	s19 =	rddreg [dreg:$0x5];
	[sflag:s13] =	ssyncadd.s32 $0xFFFFF000  }
0x1d: {  	[tilespmem:s23], [sflag:$0x5] =	stream.linear.gather [hbm4b:s19+s3], $0x1000, $0x38;
	[tilespmem:$0x1CC00] =	vst v63  }
0x1e: {  	_ =	swait.ge [sflag:s13], $0x1000  }
0x1f: {  	[sflag:s13] =	ssyncset.done $0x0  }
0x20: {  	[sflag:s13] =	ssyncadd.s32 $0xFFFFF000  }
0x21: {  	v6 =	vld [tilespmem:$0x0];
	_ =	sdelay $0x4  }
0x22: {  	v7 =	vshll.u32 v6, $0x3  }
0x23: {  	v6 =	vand.u32 $0x7, v6;
	v7 =	vand.u32 $0xFFFFFFC0, v7  }
0x24: {  	v6 =	vor.u32 v6, v7  }
0x25: {  	v7 =	vperm.xlane v6, v0;
	_ =	sdelay $0x1  }
0x26: {  	v7 =	vadd.s32 v1, v7;
	_ =	sdelay $0x4  }
0x27: {  	[tilespmem:s15], [sflag:$0x1] =	stream.indirect_vreg.gather [hbm4b:s2+s3], $0x80, v7, vm0, $0xb8;
	[tilespmem:$0x1CC00] =	vst v63  }
0x28: {  	s25 =	simm.s32 $0x2800;
	v6 =	vperm.xlane v6, v2  }
0x29: {  	[tilespmem:s25], [sflag:$0x1] =	stream.indirect_vreg.gather [hbm4b:s8+s3], $0x80, v7, vm0, $0xb8;
	[tilespmem:$0x1CC00] =	vst v63  }
0x2a: {  	s28 =	simm.s32 $0x3000;
	v6 =	vadd.s32 v1, v6  }
0x2b: {  	[tilespmem:s28], [sflag:$0x1] =	stream.indirect_vreg.gather [hbm4b:s9+s3], $0x80, v7, vm0, $0xb8;
	[tilespmem:$0x1CC00] =	vst v63  }
0x2c: {  	s5 =	simm.s32 $0x3800  }
0x2d: {  	[tilespmem:s5], [sflag:$0x1] =	stream.indirect_vreg.gather [hbm4b:s10+s3], $0x80, v7, vm0, $0xb8;
	[tilespmem:$0x1CC00] =	vst v63  }
0x2e: {  	s7 =	simm.s32 $0x4000  }
0x2f: {  	[tilespmem:s7], [sflag:$0x1] =	stream.indirect_vreg.gather [hbm4b:s2+s3], $0x80, v6, vm0, $0xb8;
	[tilespmem:$0x1CC00] =	vst v63  }
0x30: {  	s19 =	simm.s32 $0x4800  }
0x31: {  	[tilespmem:s19], [sflag:$0x1] =	stream.indirect_vreg.gather [hbm4b:s8+s3], $0x80, v6, vm0, $0xb8;
	[tilespmem:$0x1CC00] =	vst v63  }
0x32: {  	s23 =	simm.s32 $0x5000  }
0x33: {  	[tilespmem:s23], [sflag:$0x1] =	stream.indirect_vreg.gather [hbm4b:s9+s3], $0x80, v6, vm0, $0xb8;
	[tilespmem:$0x1CC00] =	vst v63  }
0x34: {  	s25 =	simm.s32 $0x5800  }
0x35: {  	[tilespmem:s25], [sflag:$0x1] =	stream.indirect_vreg.gather [hbm4b:s10+s3], $0x80, v6, vm0, $0xb8;
	[tilespmem:$0x1CC00] =	vst v63  }
0x36: {  	v6 =	vld [tilespmem:$0x10];
	_ =	sdelay $0x4  }
0x37: {  	v7 =	vshll.u32 v6, $0x3  }
0x38: {  	v6 =	vand.u32 $0x7, v6;
	v7 =	vand.u32 $0xFFFFFFC0, v7  }
0x39: {  	v6 =	vor.u32 v6, v7  }
0x3a: {  	v7 =	vperm.xlane v6, v0;
	_ =	sdelay $0x1  }
0x3b: {  	v7 =	vadd.s32 v1, v7;
	_ =	sdelay $0x3  }
0x3c: {  	s28 =	simm.s32 $0x6000  }
0x3d: {  	[tilespmem:s28], [sflag:$0x1] =	stream.indirect_vreg.gather [hbm4b:s2+s3], $0x80, v7, vm0, $0xb8;
	[tilespmem:$0x1CC00] =	vst v63  }
0x3e: {  	s5 =	simm.s32 $0x6800;
	v6 =	vperm.xlane v6, v2  }
0x3f: {  	[tilespmem:s5], [sflag:$0x1] =	stream.indirect_vreg.gather [hbm4b:s8+s3], $0x80, v7, vm0, $0xb8;
	[tilespmem:$0x1CC00] =	vst v63  }
0x40: {  	s7 =	simm.s32 $0x7000;
	v6 =	vadd.s32 v1, v6  }
0x41: {  	[tilespmem:s7], [sflag:$0x1] =	stream.indirect_vreg.gather [hbm4b:s9+s3], $0x80, v7, vm0, $0xb8;
	[tilespmem:$0x1CC00] =	vst v63  }
0x42: {  	s19 =	simm.s32 $0x7800  }
0x43: {  	[tilespmem:s19], [sflag:$0x1] =	stream.indirect_vreg.gather [hbm4b:s10+s3], $0x80, v7, vm0, $0xb8;
	[tilespmem:$0x1CC00] =	vst v63  }
0x44: {  	s23 =	simm.s32 $0x8000  }
0x45: {  	[tilespmem:s23], [sflag:$0x1] =	stream.indirect_vreg.gather [hbm4b:s2+s3], $0x80, v6, vm0, $0xb8;
	[tilespmem:$0x1CC00] =	vst v63  }
0x46: {  	s25 =	simm.s32 $0x8800  }
0x47: {  	[tilespmem:s25], [sflag:$0x1] =	stream.indirect_vreg.gather [hbm4b:s8+s3], $0x80, v6, vm0, $0xb8;
	[tilespmem:$0x1CC00] =	vst v63  }
0x48: {  	s28 =	simm.s32 $0x9000  }
0x49: {  	[tilespmem:s28], [sflag:$0x1] =	stream.indirect_vreg.gather [hbm4b:s9+s3], $0x80, v6, vm0, $0xb8;
	[tilespmem:$0x1CC00] =	vst v63  }
0x4a: {  	s5 =	simm.s32 $0x9800  }
0x4b: {  	[tilespmem:s5], [sflag:$0x1] =	stream.indirect_vreg.gather [hbm4b:s10+s3], $0x80, v6, vm0, $0xb8;
	[tilespmem:$0x1CC00] =	vst v63  }
0x4c: {  	v6 =	vld [tilespmem:$0x20];
	_ =	sdelay $0x4  }
0x4d: {  	v7 =	vshll.u32 v6, $0x3  }
0x4e: {  	v6 =	vand.u32 $0x7, v6;
	v7 =	vand.u32 $0xFFFFFFC0, v7  }
0x4f: {  	v6 =	vor.u32 v6, v7  }
0x50: {  	v7 =	vperm.xlane v6, v0;
	_ =	sdelay $0x1  }
0x51: {  	v7 =	vadd.s32 v1, v7;
	_ =	sdelay $0x3  }
0x52: {  	s7 =	simm.s32 $0xA000  }
0x53: {  	[tilespmem:s7], [sflag:$0x1] =	stream.indirect_vreg.gather [hbm4b:s2+s3], $0x80, v7, vm0, $0xb8;
	[tilespmem:$0x1CC00] =	vst v63  }
0x54: {  	s19 =	simm.s32 $0xA800;
	v6 =	vperm.xlane v6, v2  }
0x55: {  	[tilespmem:s19], [sflag:$0x1] =	stream.indirect_vreg.gather [hbm4b:s8+s3], $0x80, v7, vm0, $0xb8;
	[tilespmem:$0x1CC00] =	vst v63  }
0x56: {  	s23 =	simm.s32 $0xB000;
	v6 =	vadd.s32 v1, v6  }
0x57: {  	[tilespmem:s23], [sflag:$0x1] =	stream.indirect_vreg.gather [hbm4b:s9+s3], $0x80, v7, vm0, $0xb8;
	[tilespmem:$0x1CC00] =	vst v63  }
0x58: {  	s25 =	simm.s32 $0xB800  }
0x59: {  	[tilespmem:s25], [sflag:$0x1] =	stream.indirect_vreg.gather [hbm4b:s10+s3], $0x80, v7, vm0, $0xb8;
	[tilespmem:$0x1CC00] =	vst v63  }
0x5a: {  	s28 =	simm.s32 $0xC000  }
0x5b: {  	[tilespmem:s28], [sflag:$0x1] =	stream.indirect_vreg.gather [hbm4b:s2+s3], $0x80, v6, vm0, $0xb8;
	[tilespmem:$0x1CC00] =	vst v63  }
0x5c: {  	s5 =	simm.s32 $0xC800  }
0x5d: {  	[tilespmem:s5], [sflag:$0x1] =	stream.indirect_vreg.gather [hbm4b:s8+s3], $0x80, v6, vm0, $0xb8;
	[tilespmem:$0x1CC00] =	vst v63  }
0x5e: {  	s7 =	simm.s32 $0xD000  }
0x5f: {  	[tilespmem:s7], [sflag:$0x1] =	stream.indirect_vreg.gather [hbm4b:s9+s3], $0x80, v6, vm0, $0xb8;
	[tilespmem:$0x1CC00] =	vst v63  }
0x60: {  	s19 =	simm.s32 $0xD800  }
0x61: {  	[tilespmem:s19], [sflag:$0x1] =	stream.indirect_vreg.gather [hbm4b:s10+s3], $0x80, v6, vm0, $0xb8;
	[tilespmem:$0x1CC00] =	vst v63  }
0x62: {  	v6 =	vld.msk [tilespmem:$0x1000], $0x3;
	_ =	sdelay $0x4  }
0x63: {  	v7 =	vshll.u32 v6, $0x3  }
0x64: {  	v6 =	vand.u32 $0x7, v6;
	v7 =	vand.u32 $0xFFFFFFC0, v7  }
0x65: {  	v6 =	vor.u32 v6, v7  }
0x66: {  	v6 =	vperm.xlane v6, v3;
	_ =	sdelay $0x1  }
0x67: {  	v6 =	vadd.s32 v4, v6;
	_ =	sdelay $0x3  }
0x68: {  	s23 =	simm.s32 $0x1A000  }
0x69: {  	[tilespmem:s23], [sflag:$0x3] =	stream.indirect_vreg.gather [hbm4b:s2+s3], $0x80, v6, vm0, $0xb8;
	[tilespmem:$0x1CC00] =	vst v63  }
0x6a: {  	v6 =	vld [tilespmem:$0x80];
	_ =	sdelay $0x4  }
0x6b: {  	v7 =	vshll.u32 v6, $0x3  }
0x6c: {  	v6 =	vand.u32 $0x7, v6;
	v7 =	vand.u32 $0xFFFFFFC0, v7  }
0x6d: {  	v6 =	vor.u32 v6, v7  }
0x6e: {  	v7 =	vperm.xlane v6, v0;
	_ =	sdelay $0x1  }
0x6f: {  	v7 =	vadd.s32 v1, v7;
	_ =	sdelay $0x4  }
0x70: {  	[tilespmem:s18], [sflag:$0x2] =	stream.indirect_vreg.gather [hbm4b:s2+s3], $0x80, v7, vm0, $0xb8;
	[tilespmem:$0x1CC00] =	vst v63  }
0x71: {  	s25 =	simm.s32 $0xE800;
	v6 =	vperm.xlane v6, v2  }
0x72: {  	[tilespmem:s25], [sflag:$0x2] =	stream.indirect_vreg.gather [hbm4b:s8+s3], $0x80, v7, vm0, $0xb8;
	[tilespmem:$0x1CC00] =	vst v63  }
0x73: {  	s28 =	simm.s32 $0xF000;
	v6 =	vadd.s32 v1, v6  }
0x74: {  	[tilespmem:s28], [sflag:$0x2] =	stream.indirect_vreg.gather [hbm4b:s9+s3], $0x80, v7, vm0, $0xb8;
	[tilespmem:$0x1CC00] =	vst v63  }
0x75: {  	s5 =	simm.s32 $0xF800  }
0x76: {  	[tilespmem:s5], [sflag:$0x2] =	stream.indirect_vreg.gather [hbm4b:s10+s3], $0x80, v7, vm0, $0xb8;
	[tilespmem:$0x1CC00] =	vst v63  }
0x77: {  	_ = 	snop  }
0x78: {  	[tilespmem:s20], [sflag:$0x2] =	stream.indirect_vreg.gather [hbm4b:s2+s3], $0x80, v6, vm0, $0xb8;
	[tilespmem:$0x1CC00] =	vst v63  }
0x79: {  	s7 =	simm.s32 $0x10800  }
0x7a: {  	[tilespmem:s7], [sflag:$0x2] =	stream.indirect_vreg.gather [hbm4b:s8+s3], $0x80, v6, vm0, $0xb8;
	[tilespmem:$0x1CC00] =	vst v63  }
0x7b: {  	s18 =	simm.s32 $0x11000  }
0x7c: {  	[tilespmem:s18], [sflag:$0x2] =	stream.indirect_vreg.gather [hbm4b:s9+s3], $0x80, v6, vm0, $0xb8;
	[tilespmem:$0x1CC00] =	vst v63  }
0x7d: {  	s19 =	simm.s32 $0x11800  }
0x7e: {  	[tilespmem:s19], [sflag:$0x2] =	stream.indirect_vreg.gather [hbm4b:s10+s3], $0x80, v6, vm0, $0xb8;
	[tilespmem:$0x1CC00] =	vst v63  }
0x7f: {  	v6 =	vld [tilespmem:$0x90];
	_ =	sdelay $0x4  }
0x80: {  	v7 =	vshll.u32 v6, $0x3  }
0x81: {  	v6 =	vand.u32 $0x7, v6;
	v7 =	vand.u32 $0xFFFFFFC0, v7  }
0x82: {  	v6 =	vor.u32 v6, v7  }
0x83: {  	v7 =	vperm.xlane v6, v0;
	_ =	sdelay $0x1  }
0x84: {  	v7 =	vadd.s32 v1, v7;
	_ =	sdelay $0x4  }
0x85: {  	[tilespmem:s31], [sflag:$0x2] =	stream.indirect_vreg.gather [hbm4b:s2+s3], $0x80, v7, vm0, $0xb8;
	[tilespmem:$0x1CC00] =	vst v63  }
0x86: {  	s20 =	simm.s32 $0x12800;
	v6 =	vperm.xlane v6, v2  }
0x87: {  	[tilespmem:s20], [sflag:$0x2] =	stream.indirect_vreg.gather [hbm4b:s8+s3], $0x80, v7, vm0, $0xb8;
	[tilespmem:$0x1CC00] =	vst v63  }
0x88: {  	s23 =	simm.s32 $0x13000;
	v6 =	vadd.s32 v1, v6  }
0x89: {  	[tilespmem:s23], [sflag:$0x2] =	stream.indirect_vreg.gather [hbm4b:s9+s3], $0x80, v7, vm0, $0xb8;
	[tilespmem:$0x1CC00] =	vst v63  }
0x8a: {  	s25 =	simm.s32 $0x13800  }
0x8b: {  	[tilespmem:s25], [sflag:$0x2] =	stream.indirect_vreg.gather [hbm4b:s10+s3], $0x80, v7, vm0, $0xb8;
	[tilespmem:$0x1CC00] =	vst v63  }
0x8c: {  	_ = 	snop  }
0x8d: {  	[tilespmem:s12], [sflag:$0x2] =	stream.indirect_vreg.gather [hbm4b:s2+s3], $0x80, v6, vm0, $0xb8;
	[tilespmem:$0x1CC00] =	vst v63  }
0x8e: {  	s28 =	simm.s32 $0x14800  }
0x8f: {  	[tilespmem:s28], [sflag:$0x2] =	stream.indirect_vreg.gather [hbm4b:s8+s3], $0x80, v6, vm0, $0xb8;
	[tilespmem:$0x1CC00] =	vst v63  }
0x90: {  	s5 =	simm.s32 $0x15000  }
0x91: {  	[tilespmem:s5], [sflag:$0x2] =	stream.indirect_vreg.gather [hbm4b:s9+s3], $0x80, v6, vm0, $0xb8;
	[tilespmem:$0x1CC00] =	vst v63  }
0x92: {  	s7 =	simm.s32 $0x15800  }
0x93: {  	[tilespmem:s7], [sflag:$0x2] =	stream.indirect_vreg.gather [hbm4b:s10+s3], $0x80, v6, vm0, $0xb8;
	[tilespmem:$0x1CC00] =	vst v63  }
0x94: {  	v6 =	vld [tilespmem:$0xA0];
	_ =	sdelay $0x4  }
0x95: {  	v7 =	vshll.u32 v6, $0x3  }
0x96: {  	v6 =	vand.u32 $0x7, v6;
	v7 =	vand.u32 $0xFFFFFFC0, v7  }
0x97: {  	v6 =	vor.u32 v6, v7  }
0x98: {  	v7 =	vperm.xlane v6, v0;
	_ =	sdelay $0x1  }
0x99: {  	v7 =	vadd.s32 v1, v7;
	_ =	sdelay $0x4  }
0x9a: {  	[tilespmem:s22], [sflag:$0x2] =	stream.indirect_vreg.gather [hbm4b:s2+s3], $0x80, v7, vm0, $0xb8;
	[tilespmem:$0x1CC00] =	vst v63  }
0x9b: {  	s18 =	simm.s32 $0x16800;
	v6 =	vperm.xlane v6, v2  }
0x9c: {  	[tilespmem:s18], [sflag:$0x2] =	stream.indirect_vreg.gather [hbm4b:s8+s3], $0x80, v7, vm0, $0xb8;
	[tilespmem:$0x1CC00] =	vst v63  }
0x9d: {  	s19 =	simm.s32 $0x17000;
	v6 =	vadd.s32 v1, v6  }
0x9e: {  	[tilespmem:s19], [sflag:$0x2] =	stream.indirect_vreg.gather [hbm4b:s9+s3], $0x80, v7, vm0, $0xb8;
	[tilespmem:$0x1CC00] =	vst v63  }
0x9f: {  	s20 =	simm.s32 $0x17800  }
0xa0: {  	[tilespmem:s20], [sflag:$0x2] =	stream.indirect_vreg.gather [hbm4b:s10+s3], $0x80, v7, vm0, $0xb8;
	[tilespmem:$0x1CC00] =	vst v63  }
0xa1: {  	_ = 	snop  }
0xa2: {  	[tilespmem:s30], [sflag:$0x2] =	stream.indirect_vreg.gather [hbm4b:s2+s3], $0x80, v6, vm0, $0xb8;
	[tilespmem:$0x1CC00] =	vst v63  }
0xa3: {  	s23 =	simm.s32 $0x18800  }
0xa4: {  	[tilespmem:s23], [sflag:$0x2] =	stream.indirect_vreg.gather [hbm4b:s8+s3], $0x80, v6, vm0, $0xb8;
	[tilespmem:$0x1CC00] =	vst v63  }
0xa5: {  	s25 =	simm.s32 $0x19000  }
0xa6: {  	[tilespmem:s25], [sflag:$0x2] =	stream.indirect_vreg.gather [hbm4b:s9+s3], $0x80, v6, vm0, $0xb8;
	[tilespmem:$0x1CC00] =	vst v63  }
0xa7: {  	s28 =	simm.s32 $0x19800  }
0xa8: {  	[tilespmem:s28], [sflag:$0x2] =	stream.indirect_vreg.gather [hbm4b:s10+s3], $0x80, v6, vm0, $0xb8;
	[tilespmem:$0x1CC00] =	vst v63  }
0xa9: {  	v6 =	vld.msk [tilespmem:$0x1080], $0x3;
	_ =	sdelay $0x4  }
0xaa: {  	v7 =	vshll.u32 v6, $0x3  }
0xab: {  	v6 =	vand.u32 $0x7, v6;
	v7 =	vand.u32 $0xFFFFFFC0, v7  }
0xac: {  	v6 =	vor.u32 v6, v7  }
0xad: {  	v6 =	vperm.xlane v6, v3;
	_ =	sdelay $0x1  }
0xae: {  	v6 =	vadd.s32 v4, v6;
	_ =	sdelay $0x3  }
0xaf: {  	s19 =	simm.s32 $0x0  }
0xb0: {  	[tilespmem:s16], [sflag:$0x4] =	stream.indirect_vreg.gather [hbm4b:s2+s3], $0x80, v6, vm0, $0xb8;
	[tilespmem:$0x1CC00] =	vst v63  }
.LBB2_2:
0xb1: {  	_ =	swait.ge [sflag:s17], $0xC000  }
0xb2: {  	s23 =	simm.s32 $0x0;
	[sflag:s17] =	ssyncset.done $0x0  }
0xb3: {  	s0 =	sand.u32 $0x7, s23;
	[sflag:s17] =	ssyncadd.s32 $0xFFFF4000  }
0xb4: {  	s0 =	sshll.u32 s0, $0x7;
	_ =	swait.ge [sflag:s21], $0x800  }
0xb5: {  	s5 =	sadd.s32 $0x0, s0;
	[sflag:s21] =	ssyncset.done $0x0  }
0xb6: {  	s0 =	sor.u32 $0x1C00, s5;
	[sflag:s21] =	ssyncadd.s32 $0xFFFFF800  }
0xb7: {  	v6 =	vld [tilespmem:s0+$0x2000];
	_ =	sdelay $0x3  }
0xb8: {  	s0 =	simm.s32 $0x1B030  }
0xb9: {  	s7 =	sor.u32 $0x1C10, s5;
	[tilespmem:s0+$0xFFFFFFD0] =	vst v6  }
0xba: {  	v6 =	vld [tilespmem:s7+$0x2000];
	_ =	sdelay $0x4  }
0xbb: {  	s18 =	sor.u32 $0x1C20, s5;
	[tilespmem:s0+$0xFFFFFFE0] =	vst v6  }
0xbc: {  	v6 =	vld [tilespmem:s18+$0x2000];
	_ =	sdelay $0x4  }
0xbd: {  	s20 =	sor.u32 $0x1C30, s5;
	[tilespmem:s0+$0xFFFFFFF0] =	vst v6  }
0xbe: {  	v6 =	vld [tilespmem:s20+$0x2000];
	_ =	sdelay $0x4  }
0xbf: {  	s25 =	sor.u32 $0x1C40, s5;
	[tilespmem:s0+$0x0] =	vst v6  }
0xc0: {  	v6 =	vld [tilespmem:s25+$0x2000];
	_ =	sdelay $0x4  }
0xc1: {  	s28 =	sor.u32 $0x1C50, s5;
	[tilespmem:s0+$0x10] =	vst v6  }
0xc2: {  	v6 =	vld [tilespmem:s28+$0x2000];
	_ =	sdelay $0x4  }
0xc3: {  	s5 =	sor.u32 $0x1C60, s5;
	[tilespmem:s0+$0x20] =	vst v6  }
0xc4: {  	v7 =	vld.msk [tilespmem:s5+$0x2000], $0xff;
	_ =	sdelay $0x3  }
0xc5: {  	s7 =	simm.s32 $0x1  }
0xc6: {  	s18 =	simm.s32 $0x100;
	v6 =	vperm.xlane v6, v5;
	s5 =	sand.u32 $0x7, s7;
	v7 =	vperm.xlane v7, v5  }
.LBB2_3:
0xc7: {  	p0 =	sne.s32 s18, $0x1780;
	s5 =	sshll.u32 s5, $0x7;
	s23 =	sadd.s32 $0x400, s23  }
0xc8: {  	s5 =	sadd.s32 s5, s23;
	v6 =	vsel vm1, v6, v7  }
0xc9: {  	s20 =	sor.u32 $0x1C00, s5;
	[tilespmem:s0+$0x28] =	vst v6  }
0xca: {  	v6 =	vld [tilespmem:s20+$0x2000];
	_ =	sdelay $0x3  }
0xcb: {  	s0 =	sadd.s32 $0x80, s0  }
0xcc: {  	s20 =	sor.u32 $0x1C10, s5;
	[tilespmem:s0+$0xFFFFFFD0] =	vst v6  }
0xcd: {  	v6 =	vld [tilespmem:s20+$0x2000];
	_ =	sdelay $0x4  }
0xce: {  	s20 =	sor.u32 $0x1C20, s5;
	[tilespmem:s0+$0xFFFFFFE0] =	vst v6  }
0xcf: {  	v6 =	vld [tilespmem:s20+$0x2000];
	_ =	sdelay $0x4  }
0xd0: {  	s20 =	sor.u32 $0x1C30, s5;
	[tilespmem:s0+$0xFFFFFFF0] =	vst v6  }
0xd1: {  	v6 =	vld [tilespmem:s20+$0x2000];
	_ =	sdelay $0x4  }
0xd2: {  	s20 =	sor.u32 $0x1C40, s5;
	[tilespmem:s0+$0x0] =	vst v6  }
0xd3: {  	v6 =	vld [tilespmem:s20+$0x2000];
	_ =	sdelay $0x4  }
0xd4: {  	s20 =	sor.u32 $0x1C50, s5;
	[tilespmem:s0+$0x10] =	vst v6  }
0xd5: {  	v6 =	vld [tilespmem:s20+$0x2000];
	_ =	sdelay $0x4  }
0xd6: {  	s5 =	sor.u32 $0x1C60, s5;
	[tilespmem:s0+$0x20] =	vst v6;
	v6 =	vperm.xlane v6, v5  }
0xd7: {  	v7 =	vld.msk [tilespmem:s5+$0x2000], $0xff  }
.Ltmp2:
0xd8: {  	(pc) =	sbr.rel @p0 .LBB2_3-.Ltmp2, $3  }
0xd9: {  	_ =	sdelay $0x1  }
0xda: {  	s7 =	sadd.s32 $0x1, s7  }
0xdb: {  	s18 =	sadd.s32 $0x80, s18;
	s5 =	sand.u32 $0x7, s7;
	v7 =	vperm.xlane v7, v5  }
0xdc: {  	s5 =	sshll.u32 s5, $0x7;
	s7 =	sadd.s32 $0x400, s23  }
0xdd: {  	s5 =	sadd.s32 s5, s7;
	v6 =	vsel vm1, v6, v7  }
0xde: {  	s7 =	sor.u32 $0x1C00, s5;
	[tilespmem:s0+$0x28] =	vst v6  }
0xdf: {  	v6 =	vld [tilespmem:s7+$0x2000];
	_ =	sdelay $0x3  }
0xe0: {  	s0 =	sadd.s32 $0x80, s0  }
0xe1: {  	s20 =	sor.u32 $0x1C10, s5;
	[tilespmem:s0+$0xFFFFFFD0] =	vst v6  }
0xe2: {  	v6 =	vld [tilespmem:s20+$0x2000];
	_ =	sdelay $0x4  }
0xe3: {  	s23 =	sor.u32 $0x1C20, s5;
	[tilespmem:s0+$0xFFFFFFE0] =	vst v6  }
0xe4: {  	v6 =	vld [tilespmem:s23+$0x2000];
	_ =	sdelay $0x4  }
0xe5: {  	s25 =	sor.u32 $0x1C30, s5;
	[tilespmem:s0+$0xFFFFFFF0] =	vst v6  }
0xe6: {  	v6 =	vld [tilespmem:s25+$0x2000];
	_ =	sdelay $0x4  }
0xe7: {  	s18 =	sor.u32 $0x1C40, s5;
	[tilespmem:s0+$0x0] =	vst v6  }
0xe8: {  	v6 =	vld [tilespmem:s18+$0x2000];
	_ =	sdelay $0x4  }
0xe9: {  	s20 =	sor.u32 $0x1C50, s5;
	[tilespmem:s0+$0x10] =	vst v6  }
0xea: {  	v6 =	vld [tilespmem:s20+$0x2000];
	_ =	sdelay $0x4  }
0xeb: {  	s5 =	sor.u32 $0x1C60, s5;
	[tilespmem:s0+$0x20] =	vst v6  }
0xec: {  	v7 =	vld.msk [tilespmem:s5+$0x2000], $0xff;
	_ =	sdelay $0x4  }
0xed: {  	v6 =	vperm.xlane v6, v5;
	v7 =	vperm.xlane v7, v5;
	_ =	sdelay $0x1  }
0xee: {  	v6 =	vsel vm1, v6, v7  }
0xef: {  	[tilespmem:s0+$0x28] =	vst v6  }
0xf0: {  	v6 =	vld [tilespmem:$0x1A700]  }
0xf1: {  	v7 =	vld [tilespmem:$0x1A710]  }
0xf2: {  	v8 =	vld [tilespmem:$0x1A720]  }
0xf3: {  	v9 =	vld [tilespmem:$0x1A730]  }
0xf4: {  	v10 =	vld [tilespmem:$0x1A750]  }
0xf5: {  	v11 =	vld.msk [tilespmem:$0x1A760], $0xff  }
0xf6: {  	v12 =	vld [tilespmem:$0x1A740]  }
0xf7: {  	v59 =	vld [tilespmem:$0x1A7A0]  }
0xf8: {  	v13 =	vld [tilespmem:$0x1A7B0];
	[tilespmem:$0x1C800] =	vst v6  }
0xf9: {  	v61 =	vld [tilespmem:$0x1A7D0];
	[tilespmem:$0x1C810] =	vst v7  }
0xfa: {  	v62 =	vld.msk [tilespmem:$0x1A7E0], $0xff;
	[tilespmem:$0x1C820] =	vst v8  }
0xfb: {  	v63 =	vld [tilespmem:$0x1A7C0];
	[tilespmem:$0x1C830] =	vst v9  }
0xfc: {  	v6 =	vld [tilespmem:$0x1A780];
	[tilespmem:$0x1C840] =	vst v12  }
0xfd: {  	v7 =	vld [tilespmem:$0x1A790];
	[tilespmem:$0x1C850] =	vst v10  }
0xfe: {  	[tilespmem:$0x1C8A0] =	vst v59  }
0xff: {  	[tilespmem:$0x1C8B0] =	vst v13  }
0x100: {  	s23 =	sshll.u32 s19, $0x1;
	s25 =	rddreg [dreg:$0x3];
	[tilespmem:$0x1C8C0] =	vst v63  }
0x101: {  	s0 =	sor.u32 s25, s23;
	v60 =	vperm.xlane v10, v5;
	v11 =	vperm.xlane v11, v5;
	[tilespmem:$0x1C880] =	vst v6  }
0x102: {  	s0 =	smul.u32 $0xE000, s0;
	[tilespmem:$0x1C890] =	vst v7;
	v6 =	vperm.xlane v61, v5;
	v7 =	vperm.xlane v62, v5  }
0x103: {  	[tilespmem:$0x1C8D0] =	vst v61;
	v9 =	vsel vm1, v60, v11  }
0x104: {  	s28 =	sshrl.u32 s0, $0x3;
	[tilespmem:$0x1C858] =	vst v9;
	v6 =	vsel vm1, v6, v7  }
0x105: {  	s23 =	sadd.s32 s4, s28;
	[tilespmem:$0x1C8D8] =	vst v6  }
0x106: {  	[hbm4b:s23+s3] =	stream.linear.scatter [tilespmem:s15], [sflag:$0x5], $0x1C00, $0x38;
	[tilespmem:$0x1CC00] =	vst v63  }
0x107: {  	s18 =	simm.s32 $0x4000;
	s7 =	sadd.s32 $0x400, s23  }
0x108: {  	[hbm4b:s7+s3] =	stream.linear.scatter [tilespmem:s18], [sflag:$0x5], $0x1C00, $0x38;
	[tilespmem:$0x1CC00] =	vst v63  }
0x109: {  	s25 =	simm.s32 $0x6000;
	s20 =	sadd.s32 $0x800, s23  }
0x10a: {  	[hbm4b:s20+s3] =	stream.linear.scatter [tilespmem:s25], [sflag:$0x5], $0x1C00, $0x38;
	[tilespmem:$0x1CC00] =	vst v63  }
0x10b: {  	s7 =	sadd.s32 $0xC00, s23;
	s18 =	simm.s32 $0x8000  }
0x10c: {  	[hbm4b:s7+s3] =	stream.linear.scatter [tilespmem:s18], [sflag:$0x5], $0x1C00, $0x38;
	[tilespmem:$0x1CC00] =	vst v63  }
0x10d: {  	s20 =	sadd.s32 $0x1000, s23;
	s25 =	simm.s32 $0xA000  }
0x10e: {  	[hbm4b:s20+s3] =	stream.linear.scatter [tilespmem:s25], [sflag:$0x5], $0x1C00, $0x38;
	[tilespmem:$0x1CC00] =	vst v63  }
0x10f: {  	s5 =	sadd.s32 $0x1400, s23;
	s7 =	simm.s32 $0xC000  }
0x110: {  	[hbm4b:s5+s3] =	stream.linear.scatter [tilespmem:s7], [sflag:$0x5], $0x1C00, $0x38;
	[tilespmem:$0x1CC00] =	vst v63  }
0x111: {  	_ =	swait.ge [sflag:s13], $0xA800  }
0x112: {  	[sflag:s13] =	ssyncset.done $0x0  }
0x113: {  	s18 =	sadd.s32 $0x1800, s23;
	s20 =	simm.s32 $0x1A000;
	[sflag:s13] =	ssyncadd.s32 $0xFFFF5800  }
0x114: {  	[hbm4b:s18+s24] =	stream.strided.scatter [tilespmem:s20], [sflag:$0x5], $0x700, s26, s24, $0x38;
	[tilespmem:$0x1CC00] =	vst v63  }
0x115: {  	_ =	swait.ge [sflag:s13], $0x700  }
0x116: {  	[sflag:s13] =	ssyncset.done $0x0  }
0x117: {  	p0 =	seq.s32 s19, $0xF;
	s25 =	sadd.s32 s28, s11;
	[sflag:s13] =	ssyncadd.s32 $0xFFFFF900  }
0x118: {  	[hbm4b:s25+s26] =	stream.strided.scatter [tilespmem:s29], [sflag:$0x5], $0x1800, s15, s26, $0x38;
	[tilespmem:$0x1CC00] =	vst v63  }
.Ltmp3:
0x119: {  	s0 =	sadd.s32 $0x1800, s25;
	(pc) =	sbr.rel @p0 .LBB2_6-.Ltmp3, $4  }
0x11a: {  	[hbm4b:s0+s3] =	stream.linear.scatter [tilespmem:s1], [sflag:$0x5], $0x100, $0x38;
	[tilespmem:$0x1CC00] =	vst v63  }
0x11b: {  	_ =	swait.ge [sflag:s13], $0x1900  }
0x11c: {  	[sflag:s13] =	ssyncset.done $0x0  }
0x11d: {  	[sflag:s13] =	ssyncadd.s32 $0xFFFFE700  }
0x11e: {  	s0 =	sshll.u32 s19, $0x8  }
0x11f: {  	v6 =	vld [tilespmem:s0+$0x100];
	_ =	sdelay $0x4  }
0x120: {  	v7 =	vshll.u32 v6, $0x3  }
0x121: {  	v6 =	vand.u32 $0x7, v6;
	v7 =	vand.u32 $0xFFFFFFC0, v7  }
0x122: {  	v6 =	vor.u32 v6, v7  }
0x123: {  	v7 =	vperm.xlane v6, v0;
	_ =	sdelay $0x1  }
0x124: {  	v7 =	vadd.s32 v1, v7;
	_ =	sdelay $0x4  }
0x125: {  	[tilespmem:s15], [sflag:$0x1] =	stream.indirect_vreg.gather [hbm4b:s2+s3], $0x80, v7, vm0, $0xb8;
	[tilespmem:$0x1CC00] =	vst v63  }
0x126: {  	s5 =	simm.s32 $0x2800;
	v6 =	vperm.xlane v6, v2  }
0x127: {  	[tilespmem:s5], [sflag:$0x1] =	stream.indirect_vreg.gather [hbm4b:s8+s3], $0x80, v7, vm0, $0xb8;
	[tilespmem:$0x1CC00] =	vst v63  }
0x128: {  	s18 =	simm.s32 $0x3000;
	v6 =	vadd.s32 v1, v6  }
0x129: {  	[tilespmem:s18], [sflag:$0x1] =	stream.indirect_vreg.gather [hbm4b:s9+s3], $0x80, v7, vm0, $0xb8;
	[tilespmem:$0x1CC00] =	vst v63  }
0x12a: {  	s20 =	simm.s32 $0x3800  }
0x12b: {  	[tilespmem:s20], [sflag:$0x1] =	stream.indirect_vreg.gather [hbm4b:s10+s3], $0x80, v7, vm0, $0xb8;
	[tilespmem:$0x1CC00] =	vst v63  }
0x12c: {  	s25 =	simm.s32 $0x4000  }
0x12d: {  	[tilespmem:s25], [sflag:$0x1] =	stream.indirect_vreg.gather [hbm4b:s2+s3], $0x80, v6, vm0, $0xb8;
	[tilespmem:$0x1CC00] =	vst v63  }
0x12e: {  	s7 =	simm.s32 $0x4800  }
0x12f: {  	[tilespmem:s7], [sflag:$0x1] =	stream.indirect_vreg.gather [hbm4b:s8+s3], $0x80, v6, vm0, $0xb8;
	[tilespmem:$0x1CC00] =	vst v63  }
0x130: {  	s18 =	simm.s32 $0x5000  }
0x131: {  	[tilespmem:s18], [sflag:$0x1] =	stream.indirect_vreg.gather [hbm4b:s9+s3], $0x80, v6, vm0, $0xb8;
	[tilespmem:$0x1CC00] =	vst v63  }
0x132: {  	s20 =	simm.s32 $0x5800  }
0x133: {  	[tilespmem:s20], [sflag:$0x1] =	stream.indirect_vreg.gather [hbm4b:s10+s3], $0x80, v6, vm0, $0xb8;
	[tilespmem:$0x1CC00] =	vst v63  }
0x134: {  	v6 =	vld [tilespmem:s0+$0x110];
	_ =	sdelay $0x4  }
0x135: {  	v7 =	vshll.u32 v6, $0x3  }
0x136: {  	v6 =	vand.u32 $0x7, v6;
	v7 =	vand.u32 $0xFFFFFFC0, v7  }
0x137: {  	v6 =	vor.u32 v6, v7  }
0x138: {  	v7 =	vperm.xlane v6, v0;
	_ =	sdelay $0x1  }
0x139: {  	v7 =	vadd.s32 v1, v7;
	_ =	sdelay $0x3  }
0x13a: {  	s25 =	simm.s32 $0x6000  }
0x13b: {  	[tilespmem:s25], [sflag:$0x1] =	stream.indirect_vreg.gather [hbm4b:s2+s3], $0x80, v7, vm0, $0xb8;
	[tilespmem:$0x1CC00] =	vst v63  }
0x13c: {  	s7 =	simm.s32 $0x6800;
	v6 =	vperm.xlane v6, v2  }
0x13d: {  	[tilespmem:s7], [sflag:$0x1] =	stream.indirect_vreg.gather [hbm4b:s8+s3], $0x80, v7, vm0, $0xb8;
	[tilespmem:$0x1CC00] =	vst v63  }
0x13e: {  	s18 =	simm.s32 $0x7000;
	v6 =	vadd.s32 v1, v6  }
0x13f: {  	[tilespmem:s18], [sflag:$0x1] =	stream.indirect_vreg.gather [hbm4b:s9+s3], $0x80, v7, vm0, $0xb8;
	[tilespmem:$0x1CC00] =	vst v63  }
0x140: {  	s20 =	simm.s32 $0x7800  }
0x141: {  	[tilespmem:s20], [sflag:$0x1] =	stream.indirect_vreg.gather [hbm4b:s10+s3], $0x80, v7, vm0, $0xb8;
	[tilespmem:$0x1CC00] =	vst v63  }
0x142: {  	s25 =	simm.s32 $0x8000  }
0x143: {  	[tilespmem:s25], [sflag:$0x1] =	stream.indirect_vreg.gather [hbm4b:s2+s3], $0x80, v6, vm0, $0xb8;
	[tilespmem:$0x1CC00] =	vst v63  }
0x144: {  	s7 =	simm.s32 $0x8800  }
0x145: {  	[tilespmem:s7], [sflag:$0x1] =	stream.indirect_vreg.gather [hbm4b:s8+s3], $0x80, v6, vm0, $0xb8;
	[tilespmem:$0x1CC00] =	vst v63  }
0x146: {  	s18 =	simm.s32 $0x9000  }
0x147: {  	[tilespmem:s18], [sflag:$0x1] =	stream.indirect_vreg.gather [hbm4b:s9+s3], $0x80, v6, vm0, $0xb8;
	[tilespmem:$0x1CC00] =	vst v63  }
0x148: {  	s20 =	simm.s32 $0x9800  }
0x149: {  	[tilespmem:s20], [sflag:$0x1] =	stream.indirect_vreg.gather [hbm4b:s10+s3], $0x80, v6, vm0, $0xb8;
	[tilespmem:$0x1CC00] =	vst v63  }
0x14a: {  	v6 =	vld [tilespmem:s0+$0x120];
	_ =	sdelay $0x4  }
0x14b: {  	v7 =	vshll.u32 v6, $0x3  }
0x14c: {  	v6 =	vand.u32 $0x7, v6;
	v7 =	vand.u32 $0xFFFFFFC0, v7  }
0x14d: {  	v6 =	vor.u32 v6, v7  }
0x14e: {  	v7 =	vperm.xlane v6, v0;
	_ =	sdelay $0x1  }
0x14f: {  	v7 =	vadd.s32 v1, v7;
	_ =	sdelay $0x3  }
0x150: {  	s25 =	simm.s32 $0xA000  }
0x151: {  	[tilespmem:s25], [sflag:$0x1] =	stream.indirect_vreg.gather [hbm4b:s2+s3], $0x80, v7, vm0, $0xb8;
	[tilespmem:$0x1CC00] =	vst v63  }
0x152: {  	s7 =	simm.s32 $0xA800;
	v6 =	vperm.xlane v6, v2  }
0x153: {  	[tilespmem:s7], [sflag:$0x1] =	stream.indirect_vreg.gather [hbm4b:s8+s3], $0x80, v7, vm0, $0xb8;
	[tilespmem:$0x1CC00] =	vst v63  }
0x154: {  	s18 =	simm.s32 $0xB000;
	v6 =	vadd.s32 v1, v6  }
0x155: {  	[tilespmem:s18], [sflag:$0x1] =	stream.indirect_vreg.gather [hbm4b:s9+s3], $0x80, v7, vm0, $0xb8;
	[tilespmem:$0x1CC00] =	vst v63  }
0x156: {  	s20 =	simm.s32 $0xB800  }
0x157: {  	[tilespmem:s20], [sflag:$0x1] =	stream.indirect_vreg.gather [hbm4b:s10+s3], $0x80, v7, vm0, $0xb8;
	[tilespmem:$0x1CC00] =	vst v63  }
0x158: {  	s25 =	simm.s32 $0xC000  }
0x159: {  	[tilespmem:s25], [sflag:$0x1] =	stream.indirect_vreg.gather [hbm4b:s2+s3], $0x80, v6, vm0, $0xb8;
	[tilespmem:$0x1CC00] =	vst v63  }
0x15a: {  	s7 =	simm.s32 $0xC800  }
0x15b: {  	[tilespmem:s7], [sflag:$0x1] =	stream.indirect_vreg.gather [hbm4b:s8+s3], $0x80, v6, vm0, $0xb8;
	[tilespmem:$0x1CC00] =	vst v63  }
0x15c: {  	s18 =	simm.s32 $0xD000  }
0x15d: {  	[tilespmem:s18], [sflag:$0x1] =	stream.indirect_vreg.gather [hbm4b:s9+s3], $0x80, v6, vm0, $0xb8;
	[tilespmem:$0x1CC00] =	vst v63  }
0x15e: {  	s20 =	simm.s32 $0xD800  }
0x15f: {  	[tilespmem:s20], [sflag:$0x1] =	stream.indirect_vreg.gather [hbm4b:s10+s3], $0x80, v6, vm0, $0xb8;
	[tilespmem:$0x1CC00] =	vst v63  }
0x160: {  	v6 =	vld.msk [tilespmem:s0+$0x1100], $0x3;
	_ =	sdelay $0x4  }
0x161: {  	v7 =	vshll.u32 v6, $0x3  }
0x162: {  	v6 =	vand.u32 $0x7, v6;
	v7 =	vand.u32 $0xFFFFFFC0, v7  }
0x163: {  	v6 =	vor.u32 v6, v7  }
0x164: {  	v6 =	vperm.xlane v6, v3;
	_ =	sdelay $0x1  }
0x165: {  	v6 =	vadd.s32 v4, v6;
	_ =	sdelay $0x3  }
0x166: {  	s25 =	simm.s32 $0x1A000  }
0x167: {  	[tilespmem:s25], [sflag:$0x3] =	stream.indirect_vreg.gather [hbm4b:s2+s3], $0x80, v6, vm0, $0xb8;
	[tilespmem:$0x1CC00] =	vst v63  }
.LBB2_6:
0x168: {  	_ =	swait.ge [sflag:s14], $0xC000  }
0x169: {  	s0 =	simm.s32 $0x0;
	[sflag:s14] =	ssyncset.done $0x0  }
0x16a: {  	s5 =	sand.u32 $0x7, s0;
	[sflag:s14] =	ssyncadd.s32 $0xFFFF4000  }
0x16b: {  	s5 =	sshll.u32 s5, $0x7;
	_ =	swait.ge [sflag:s6], $0x800  }
0x16c: {  	s5 =	sadd.s32 $0x0, s5;
	[sflag:s6] =	ssyncset.done $0x0  }
0x16d: {  	s7 =	sor.u32 $0x1C00, s5;
	[sflag:s6] =	ssyncadd.s32 $0xFFFFF800  }
0x16e: {  	v6 =	vld [tilespmem:s7+$0xE000];
	_ =	sdelay $0x3  }
0x16f: {  	s7 =	simm.s32 $0x1B030  }
0x170: {  	s18 =	sor.u32 $0x1C10, s5;
	[tilespmem:s7+$0xFFFFFFD0] =	vst v6  }
0x171: {  	v6 =	vld [tilespmem:s18+$0xE000];
	_ =	sdelay $0x4  }
0x172: {  	s20 =	sor.u32 $0x1C20, s5;
	[tilespmem:s7+$0xFFFFFFE0] =	vst v6  }
0x173: {  	v6 =	vld [tilespmem:s20+$0xE000];
	_ =	sdelay $0x4  }
0x174: {  	s25 =	sor.u32 $0x1C30, s5;
	[tilespmem:s7+$0xFFFFFFF0] =	vst v6  }
0x175: {  	v6 =	vld [tilespmem:s25+$0xE000];
	_ =	sdelay $0x4  }
0x176: {  	s20 =	sor.u32 $0x1C40, s5;
	[tilespmem:s7+$0x0] =	vst v6  }
0x177: {  	v6 =	vld [tilespmem:s20+$0xE000];
	_ =	sdelay $0x4  }
0x178: {  	s25 =	sor.u32 $0x1C50, s5;
	[tilespmem:s7+$0x10] =	vst v6  }
0x179: {  	v6 =	vld [tilespmem:s25+$0xE000];
	_ =	sdelay $0x4  }
0x17a: {  	s5 =	sor.u32 $0x1C60, s5;
	[tilespmem:s7+$0x20] =	vst v6  }
0x17b: {  	v7 =	vld.msk [tilespmem:s5+$0xE000], $0xff;
	_ =	sdelay $0x3  }
0x17c: {  	s18 =	simm.s32 $0x1  }
0x17d: {  	s20 =	sand.u32 $0x7, s18;
	v6 =	vperm.xlane v6, v5;
	s5 =	simm.s32 $0x100;
	v7 =	vperm.xlane v7, v5  }
.LBB2_7:
0x17e: {  	p1 =	sne.s32 s5, $0x1780;
	s20 =	sshll.u32 s20, $0x7;
	s0 =	sadd.s32 $0x400, s0  }
0x17f: {  	s20 =	sadd.s32 s20, s0;
	v6 =	vsel vm1, v6, v7  }
0x180: {  	s25 =	sor.u32 $0x1C00, s20;
	[tilespmem:s7+$0x28] =	vst v6  }
0x181: {  	v6 =	vld [tilespmem:s25+$0xE000];
	_ =	sdelay $0x3  }
0x182: {  	s7 =	sadd.s32 $0x80, s7  }
0x183: {  	s25 =	sor.u32 $0x1C10, s20;
	[tilespmem:s7+$0xFFFFFFD0] =	vst v6  }
0x184: {  	v6 =	vld [tilespmem:s25+$0xE000];
	_ =	sdelay $0x4  }
0x185: {  	s25 =	sor.u32 $0x1C20, s20;
	[tilespmem:s7+$0xFFFFFFE0] =	vst v6  }
0x186: {  	v6 =	vld [tilespmem:s25+$0xE000];
	_ =	sdelay $0x4  }
0x187: {  	s25 =	sor.u32 $0x1C30, s20;
	[tilespmem:s7+$0xFFFFFFF0] =	vst v6  }
0x188: {  	v6 =	vld [tilespmem:s25+$0xE000];
	_ =	sdelay $0x4  }
0x189: {  	s25 =	sor.u32 $0x1C40, s20;
	[tilespmem:s7+$0x0] =	vst v6  }
0x18a: {  	v6 =	vld [tilespmem:s25+$0xE000];
	_ =	sdelay $0x4  }
0x18b: {  	s25 =	sor.u32 $0x1C50, s20;
	[tilespmem:s7+$0x10] =	vst v6  }
0x18c: {  	v6 =	vld [tilespmem:s25+$0xE000];
	_ =	sdelay $0x4  }
0x18d: {  	s20 =	sor.u32 $0x1C60, s20;
	[tilespmem:s7+$0x20] =	vst v6;
	v6 =	vperm.xlane v6, v5  }
0x18e: {  	v7 =	vld.msk [tilespmem:s20+$0xE000], $0xff  }
.Ltmp4:
0x18f: {  	(pc) =	sbr.rel @p1 .LBB2_7-.Ltmp4, $3  }
0x190: {  	_ =	sdelay $0x1  }
0x191: {  	s18 =	sadd.s32 $0x1, s18  }
0x192: {  	s5 =	sadd.s32 $0x80, s5;
	s20 =	sand.u32 $0x7, s18;
	v7 =	vperm.xlane v7, v5  }
0x193: {  	s5 =	sshll.u32 s20, $0x7;
	s0 =	sadd.s32 $0x400, s0  }
0x194: {  	s0 =	sadd.s32 s5, s0;
	v6 =	vsel vm1, v6, v7  }
0x195: {  	s5 =	sor.u32 $0x1C00, s0;
	[tilespmem:s7+$0x28] =	vst v6  }
0x196: {  	v6 =	vld [tilespmem:s5+$0xE000];
	_ =	sdelay $0x3  }
0x197: {  	s5 =	sadd.s32 $0x80, s7  }
0x198: {  	s20 =	sor.u32 $0x1C10, s0;
	[tilespmem:s5+$0xFFFFFFD0] =	vst v6  }
0x199: {  	v6 =	vld [tilespmem:s20+$0xE000];
	_ =	sdelay $0x4  }
0x19a: {  	s25 =	sor.u32 $0x1C20, s0;
	[tilespmem:s5+$0xFFFFFFE0] =	vst v6  }
0x19b: {  	v6 =	vld [tilespmem:s25+$0xE000];
	_ =	sdelay $0x4  }
0x19c: {  	s18 =	sor.u32 $0x1C30, s0;
	[tilespmem:s5+$0xFFFFFFF0] =	vst v6  }
0x19d: {  	v6 =	vld [tilespmem:s18+$0xE000];
	_ =	sdelay $0x4  }
0x19e: {  	s20 =	sor.u32 $0x1C40, s0;
	[tilespmem:s5+$0x0] =	vst v6  }
0x19f: {  	v6 =	vld [tilespmem:s20+$0xE000];
	_ =	sdelay $0x4  }
0x1a0: {  	s25 =	sor.u32 $0x1C50, s0;
	[tilespmem:s5+$0x10] =	vst v6  }
0x1a1: {  	v6 =	vld [tilespmem:s25+$0xE000];
	_ =	sdelay $0x4  }
0x1a2: {  	s0 =	sor.u32 $0x1C60, s0;
	[tilespmem:s5+$0x20] =	vst v6  }
0x1a3: {  	v7 =	vld.msk [tilespmem:s0+$0xE000], $0xff;
	_ =	sdelay $0x4  }
0x1a4: {  	v6 =	vperm.xlane v6, v5;
	v7 =	vperm.xlane v7, v5;
	_ =	sdelay $0x1  }
0x1a5: {  	v6 =	vsel vm1, v6, v7  }
0x1a6: {  	[tilespmem:s5+$0x28] =	vst v6  }
0x1a7: {  	v6 =	vld [tilespmem:$0x1AF00]  }
0x1a8: {  	v7 =	vld [tilespmem:$0x1AF10]  }
0x1a9: {  	v8 =	vld [tilespmem:$0x1AF20]  }
0x1aa: {  	v9 =	vld [tilespmem:$0x1AF30]  }
0x1ab: {  	v10 =	vld [tilespmem:$0x1AF50]  }
0x1ac: {  	v11 =	vld.msk [tilespmem:$0x1AF60], $0xff  }
0x1ad: {  	v12 =	vld [tilespmem:$0x1AF40]  }
0x1ae: {  	v59 =	vld [tilespmem:$0x1AFA0]  }
0x1af: {  	v13 =	vld [tilespmem:$0x1AFB0];
	[tilespmem:$0x1C800] =	vst v6  }
0x1b0: {  	v61 =	vld [tilespmem:$0x1AFD0];
	[tilespmem:$0x1C810] =	vst v7  }
0x1b1: {  	v62 =	vld.msk [tilespmem:$0x1AFE0], $0xff;
	[tilespmem:$0x1C820] =	vst v8  }
0x1b2: {  	v63 =	vld [tilespmem:$0x1AFC0];
	[tilespmem:$0x1C830] =	vst v9  }
0x1b3: {  	v6 =	vld [tilespmem:$0x1AF80];
	[tilespmem:$0x1C840] =	vst v12  }
0x1b4: {  	v7 =	vld [tilespmem:$0x1AF90];
	[tilespmem:$0x1C850] =	vst v10  }
0x1b5: {  	[tilespmem:$0x1C8A0] =	vst v59  }
0x1b6: {  	[tilespmem:$0x1C8B0] =	vst v13  }
0x1b7: {  	[tilespmem:$0x1C8C0] =	vst v63  }
0x1b8: {  	v60 =	vperm.xlane v10, v5;
	v11 =	vperm.xlane v11, v5;
	[tilespmem:$0x1C880] =	vst v6  }
0x1b9: {  	[tilespmem:$0x1C890] =	vst v7;
	v6 =	vperm.xlane v61, v5;
	v7 =	vperm.xlane v62, v5  }
0x1ba: {  	[tilespmem:$0x1C8D0] =	vst v61;
	v9 =	vsel vm1, v60, v11  }
0x1bb: {  	s0 =	sadd.s32 $0x1C00, s28;
	[tilespmem:$0x1C858] =	vst v9;
	v6 =	vsel vm1, v6, v7  }
0x1bc: {  	s18 =	simm.s32 $0xE000;
	s5 =	sadd.s32 s4, s0;
	[tilespmem:$0x1C8D8] =	vst v6  }
0x1bd: {  	[hbm4b:s5+s3] =	stream.linear.scatter [tilespmem:s18], [sflag:$0x5], $0x1C00, $0x38;
	[tilespmem:$0x1CC00] =	vst v63  }
0x1be: {  	s20 =	simm.s32 $0x10000;
	s28 =	sadd.s32 $0x400, s5  }
0x1bf: {  	[hbm4b:s28+s3] =	stream.linear.scatter [tilespmem:s20], [sflag:$0x5], $0x1C00, $0x38;
	[tilespmem:$0x1CC00] =	vst v63  }
0x1c0: {  	s25 =	sadd.s32 $0x800, s5  }
0x1c1: {  	[hbm4b:s25+s3] =	stream.linear.scatter [tilespmem:s31], [sflag:$0x5], $0x1C00, $0x38;
	[tilespmem:$0x1CC00] =	vst v63  }
0x1c2: {  	s28 =	sadd.s32 $0xC00, s5  }
0x1c3: {  	[hbm4b:s28+s3] =	stream.linear.scatter [tilespmem:s12], [sflag:$0x5], $0x1C00, $0x38;
	[tilespmem:$0x1CC00] =	vst v63  }
0x1c4: {  	s25 =	sadd.s32 $0x1000, s5  }
0x1c5: {  	[hbm4b:s25+s3] =	stream.linear.scatter [tilespmem:s22], [sflag:$0x5], $0x1C00, $0x38;
	[tilespmem:$0x1CC00] =	vst v63  }
0x1c6: {  	s5 =	sadd.s32 $0x1400, s5  }
0x1c7: {  	[hbm4b:s5+s3] =	stream.linear.scatter [tilespmem:s30], [sflag:$0x5], $0x1C00, $0x38;
	[tilespmem:$0x1CC00] =	vst v63  }
0x1c8: {  	_ =	swait.ge [sflag:s13], $0xA800  }
0x1c9: {  	[sflag:s13] =	ssyncset.done $0x0  }
0x1ca: {  	s28 =	sadd.s32 $0x3400, s23;
	[sflag:s13] =	ssyncadd.s32 $0xFFFF5800  }
0x1cb: {  	[hbm4b:s28+s24] =	stream.strided.scatter [tilespmem:s16], [sflag:$0x5], $0x700, s26, s24, $0x38;
	[tilespmem:$0x1CC00] =	vst v63  }
0x1cc: {  	_ =	swait.ge [sflag:s13], $0x700  }
0x1cd: {  	[sflag:s13] =	ssyncset.done $0x0  }
0x1ce: {  	s0 =	sadd.s32 s0, s11;
	[sflag:s13] =	ssyncadd.s32 $0xFFFFF900  }
0x1cf: {  	[hbm4b:s0+s26] =	stream.strided.scatter [tilespmem:s29], [sflag:$0x5], $0x1800, s15, s26, $0x38;
	[tilespmem:$0x1CC00] =	vst v63  }
.Ltmp5:
0x1d0: {  	s0 =	sadd.s32 $0x1800, s0;
	(pc) =	sbr.rel @p0 .LBB2_10-.Ltmp5, $4  }
0x1d1: {  	[hbm4b:s0+s3] =	stream.linear.scatter [tilespmem:s1], [sflag:$0x5], $0x100, $0x38;
	[tilespmem:$0x1CC00] =	vst v63  }
0x1d2: {  	_ =	swait.ge [sflag:s13], $0x1900  }
0x1d3: {  	[sflag:s13] =	ssyncset.done $0x0  }
0x1d4: {  	[sflag:s13] =	ssyncadd.s32 $0xFFFFE700  }
0x1d5: {  	s0 =	sshll.u32 s19, $0x8  }
0x1d6: {  	v6 =	vld [tilespmem:s0+$0x180];
	_ =	sdelay $0x4  }
0x1d7: {  	v7 =	vshll.u32 v6, $0x3  }
0x1d8: {  	v6 =	vand.u32 $0x7, v6;
	v7 =	vand.u32 $0xFFFFFFC0, v7  }
0x1d9: {  	v6 =	vor.u32 v6, v7  }
0x1da: {  	v7 =	vperm.xlane v6, v0;
	_ =	sdelay $0x1  }
0x1db: {  	v7 =	vadd.s32 v1, v7;
	_ =	sdelay $0x4  }
0x1dc: {  	[tilespmem:s18], [sflag:$0x2] =	stream.indirect_vreg.gather [hbm4b:s2+s3], $0x80, v7, vm0, $0xb8;
	[tilespmem:$0x1CC00] =	vst v63  }
0x1dd: {  	s5 =	simm.s32 $0xE800;
	v6 =	vperm.xlane v6, v2  }
0x1de: {  	[tilespmem:s5], [sflag:$0x2] =	stream.indirect_vreg.gather [hbm4b:s8+s3], $0x80, v7, vm0, $0xb8;
	[tilespmem:$0x1CC00] =	vst v63  }
0x1df: {  	s7 =	simm.s32 $0xF000;
	v6 =	vadd.s32 v1, v6  }
0x1e0: {  	[tilespmem:s7], [sflag:$0x2] =	stream.indirect_vreg.gather [hbm4b:s9+s3], $0x80, v7, vm0, $0xb8;
	[tilespmem:$0x1CC00] =	vst v63  }
0x1e1: {  	s18 =	simm.s32 $0xF800  }
0x1e2: {  	[tilespmem:s18], [sflag:$0x2] =	stream.indirect_vreg.gather [hbm4b:s10+s3], $0x80, v7, vm0, $0xb8;
	[tilespmem:$0x1CC00] =	vst v63  }
0x1e3: {  	_ = 	snop  }
0x1e4: {  	[tilespmem:s20], [sflag:$0x2] =	stream.indirect_vreg.gather [hbm4b:s2+s3], $0x80, v6, vm0, $0xb8;
	[tilespmem:$0x1CC00] =	vst v63  }
0x1e5: {  	s23 =	simm.s32 $0x10800  }
0x1e6: {  	[tilespmem:s23], [sflag:$0x2] =	stream.indirect_vreg.gather [hbm4b:s8+s3], $0x80, v6, vm0, $0xb8;
	[tilespmem:$0x1CC00] =	vst v63  }
0x1e7: {  	s25 =	simm.s32 $0x11000  }
0x1e8: {  	[tilespmem:s25], [sflag:$0x2] =	stream.indirect_vreg.gather [hbm4b:s9+s3], $0x80, v6, vm0, $0xb8;
	[tilespmem:$0x1CC00] =	vst v63  }
0x1e9: {  	s28 =	simm.s32 $0x11800  }
0x1ea: {  	[tilespmem:s28], [sflag:$0x2] =	stream.indirect_vreg.gather [hbm4b:s10+s3], $0x80, v6, vm0, $0xb8;
	[tilespmem:$0x1CC00] =	vst v63  }
0x1eb: {  	v6 =	vld [tilespmem:s0+$0x190];
	_ =	sdelay $0x4  }
0x1ec: {  	v7 =	vshll.u32 v6, $0x3  }
0x1ed: {  	v6 =	vand.u32 $0x7, v6;
	v7 =	vand.u32 $0xFFFFFFC0, v7  }
0x1ee: {  	v6 =	vor.u32 v6, v7  }
0x1ef: {  	v7 =	vperm.xlane v6, v0;
	_ =	sdelay $0x1  }
0x1f0: {  	v7 =	vadd.s32 v1, v7;
	_ =	sdelay $0x4  }
0x1f1: {  	[tilespmem:s31], [sflag:$0x2] =	stream.indirect_vreg.gather [hbm4b:s2+s3], $0x80, v7, vm0, $0xb8;
	[tilespmem:$0x1CC00] =	vst v63  }
0x1f2: {  	s7 =	simm.s32 $0x12800;
	v6 =	vperm.xlane v6, v2  }
0x1f3: {  	[tilespmem:s7], [sflag:$0x2] =	stream.indirect_vreg.gather [hbm4b:s8+s3], $0x80, v7, vm0, $0xb8;
	[tilespmem:$0x1CC00] =	vst v63  }
0x1f4: {  	s18 =	simm.s32 $0x13000;
	v6 =	vadd.s32 v1, v6  }
0x1f5: {  	[tilespmem:s18], [sflag:$0x2] =	stream.indirect_vreg.gather [hbm4b:s9+s3], $0x80, v7, vm0, $0xb8;
	[tilespmem:$0x1CC00] =	vst v63  }
0x1f6: {  	s20 =	simm.s32 $0x13800  }
0x1f7: {  	[tilespmem:s20], [sflag:$0x2] =	stream.indirect_vreg.gather [hbm4b:s10+s3], $0x80, v7, vm0, $0xb8;
	[tilespmem:$0x1CC00] =	vst v63  }
0x1f8: {  	_ = 	snop  }
0x1f9: {  	[tilespmem:s12], [sflag:$0x2] =	stream.indirect_vreg.gather [hbm4b:s2+s3], $0x80, v6, vm0, $0xb8;
	[tilespmem:$0x1CC00] =	vst v63  }
0x1fa: {  	s23 =	simm.s32 $0x14800  }
0x1fb: {  	[tilespmem:s23], [sflag:$0x2] =	stream.indirect_vreg.gather [hbm4b:s8+s3], $0x80, v6, vm0, $0xb8;
	[tilespmem:$0x1CC00] =	vst v63  }
0x1fc: {  	s25 =	simm.s32 $0x15000  }
0x1fd: {  	[tilespmem:s25], [sflag:$0x2] =	stream.indirect_vreg.gather [hbm4b:s9+s3], $0x80, v6, vm0, $0xb8;
	[tilespmem:$0x1CC00] =	vst v63  }
0x1fe: {  	s28 =	simm.s32 $0x15800  }
0x1ff: {  	[tilespmem:s28], [sflag:$0x2] =	stream.indirect_vreg.gather [hbm4b:s10+s3], $0x80, v6, vm0, $0xb8;
	[tilespmem:$0x1CC00] =	vst v63  }
0x200: {  	v6 =	vld [tilespmem:s0+$0x1A0];
	_ =	sdelay $0x4  }
0x201: {  	v7 =	vshll.u32 v6, $0x3  }
0x202: {  	v6 =	vand.u32 $0x7, v6;
	v7 =	vand.u32 $0xFFFFFFC0, v7  }
0x203: {  	v6 =	vor.u32 v6, v7  }
0x204: {  	v7 =	vperm.xlane v6, v0;
	_ =	sdelay $0x1  }
0x205: {  	v7 =	vadd.s32 v1, v7;
	_ =	sdelay $0x4  }
0x206: {  	[tilespmem:s22], [sflag:$0x2] =	stream.indirect_vreg.gather [hbm4b:s2+s3], $0x80, v7, vm0, $0xb8;
	[tilespmem:$0x1CC00] =	vst v63  }
0x207: {  	s7 =	simm.s32 $0x16800;
	v6 =	vperm.xlane v6, v2  }
0x208: {  	[tilespmem:s7], [sflag:$0x2] =	stream.indirect_vreg.gather [hbm4b:s8+s3], $0x80, v7, vm0, $0xb8;
	[tilespmem:$0x1CC00] =	vst v63  }
0x209: {  	s18 =	simm.s32 $0x17000;
	v6 =	vadd.s32 v1, v6  }
0x20a: {  	[tilespmem:s18], [sflag:$0x2] =	stream.indirect_vreg.gather [hbm4b:s9+s3], $0x80, v7, vm0, $0xb8;
	[tilespmem:$0x1CC00] =	vst v63  }
0x20b: {  	s20 =	simm.s32 $0x17800  }
0x20c: {  	[tilespmem:s20], [sflag:$0x2] =	stream.indirect_vreg.gather [hbm4b:s10+s3], $0x80, v7, vm0, $0xb8;
	[tilespmem:$0x1CC00] =	vst v63  }
0x20d: {  	_ = 	snop  }
0x20e: {  	[tilespmem:s30], [sflag:$0x2] =	stream.indirect_vreg.gather [hbm4b:s2+s3], $0x80, v6, vm0, $0xb8;
	[tilespmem:$0x1CC00] =	vst v63  }
0x20f: {  	s23 =	simm.s32 $0x18800  }
0x210: {  	[tilespmem:s23], [sflag:$0x2] =	stream.indirect_vreg.gather [hbm4b:s8+s3], $0x80, v6, vm0, $0xb8;
	[tilespmem:$0x1CC00] =	vst v63  }
0x211: {  	s25 =	simm.s32 $0x19000  }
0x212: {  	[tilespmem:s25], [sflag:$0x2] =	stream.indirect_vreg.gather [hbm4b:s9+s3], $0x80, v6, vm0, $0xb8;
	[tilespmem:$0x1CC00] =	vst v63  }
0x213: {  	s28 =	simm.s32 $0x19800  }
0x214: {  	[tilespmem:s28], [sflag:$0x2] =	stream.indirect_vreg.gather [hbm4b:s10+s3], $0x80, v6, vm0, $0xb8;
	[tilespmem:$0x1CC00] =	vst v63  }
0x215: {  	v6 =	vld.msk [tilespmem:s0+$0x1180], $0x3;
	_ =	sdelay $0x4  }
0x216: {  	v7 =	vshll.u32 v6, $0x3  }
0x217: {  	v6 =	vand.u32 $0x7, v6;
	v7 =	vand.u32 $0xFFFFFFC0, v7  }
0x218: {  	v6 =	vor.u32 v6, v7  }
0x219: {  	v6 =	vperm.xlane v6, v3;
	_ =	sdelay $0x1  }
0x21a: {  	v6 =	vadd.s32 v4, v6  }
.Ltmp6:
0x21b: {  	_ = 	snop;
	(pc) =	sbr.rel .LBB2_2-.Ltmp6, $3  }
0x21c: {  	_ =	sdelay $0x1  }
0x21d: {  	s19 =	sadd.s32 $0x1, s19  }
0x21e: {  	[tilespmem:s16], [sflag:$0x4] =	stream.indirect_vreg.gather [hbm4b:s2+s3], $0x80, v6, vm0, $0xb8;
	[tilespmem:$0x1CC00] =	vst v63  }
.LBB2_11:
0x21f: {  	_ =	sfence.sel $0x180000  }
0x220: {  	[bflag:$0x0] =	sbarrier.arrive $0xFFFF  }
0x221: {  	_ =	strace $0x90000047  }
0x222: {  	s0 =	stileid.u32;
	[bflag:$0x2] =	sbarrier.arrive $0xFFFF  }
0x223: {  	p0 =	sne.s32 s0, $0x0;
	s0 =	rddreg [dreg:$0x2]  }
0x224: {  	s0 =	sadd.s32 @!p0 $0x100000, s0  }
0x225: {  	[sflag:s0] =	ssyncadd.tile.s32 @!p0 $0x1;
	_ =	shalt  }
.Lfunc_end2:
_tile_overlayer_lowered:
.L_overlay_start_2:
0x226: {  	(tag) =	ssettag $0x2  }
0x227: {  	s0 =	rddreg [dreg:$0x0];
	s2 =	stileid.u32  }
0x228: {  	s1 =	rddreg [dreg:$0x1];
	p0 =	sne.s32 s2, $0x0  }
0x229: {  	s3 =	rddreg [dreg:$0x2];
	[bflag:$0x3] =	sbarrier.arrive $0xFFFF;
	s2 =	simm.s32 @!p0 $0x1C05  }
0x22a: {  	[timem:s3], [sflag:s2] =	dma.local @!p0 [hbm:s0], s1  }
0x22b: {  	s0 =	simm.s32 @!p0 $0x5  }
0x22c: {  	_ =	swait.ge @!p0 [sflag:s0], s1  }
0x22d: {  	s1 =	ssub.s32 @!p0 $0x0, s1;
	[sflag:s0] =	ssyncset.done @!p0 $0x0  }
0x22e: {  	[sflag:s0] =	ssyncadd.s32 @!p0 s1  }
0x22f: {  	[bflag:$0x3] =	sbarrier.arrive $0xFFFF  }
0x230: {  	_ =	shalt  }

</sc_bundles>
